<compile_context>
chip_gen: v7x
topology: tpu7x:2x2x1
jax: 0.10.2.dev20260603
libtpu: 0.0.44.dev20260713+nightly
codegen_flags: <defaults>
</compile_context>

<pallas_src>
import functools

import jax
import jax.numpy as jnp
from jax import lax
from jax.experimental import pallas as pl
from jax.experimental.pallas import tpu as pltpu
from jax.experimental.pallas import tpu_sc as plsc

_DIM, _HID = 16, 64
_D = _DIM * _HID
_E = 64
_FF = 512
_T = 4096
_C = int(2.0 * _T / _E)

_B = 256
_NB = _T // _B

_NC, _NS = 2, 16
_NW = _NC * _NS
_TPW = _T // _NW
_CH = 64
_NCH = _TPW // _CH
_NROW = _T // _CH


def _route_body(x_ref, wg_ref, xbf_ref, dst_ref, gsrc_ref, gk_ref, aux_ref,
                acc_ref):
    i = pl.program_id(0)

    @pl.when(i == 0)
    def _():
        acc_ref[...] = jnp.zeros_like(acc_ref)

    xcat = x_ref[...]
    logits = lax.dot_general(xcat, wg_ref[...], (((1,), (0,)), ((), ())),
                             preferred_element_type=jnp.float32)

    def _rte(v):
        r = lax.bitcast_convert_type(v, jnp.int32)
        return r + (((r >> 16) & 1) + 0x7FFF)

    lo = _rte(xcat[:, :_D // 2])
    hi = _rte(xcat[:, _D // 2:])
    xbf_ref[...] = ((lo >> 16) & 0xFFFF) | (hi & jnp.int32(-65536))
    m = jnp.max(logits, axis=1, keepdims=True)
    ex = jnp.exp(logits - m)
    probs = ex / jnp.sum(ex, axis=1, keepdims=True)
    gate = jnp.max(probs, axis=1, keepdims=True)
    col = lax.broadcasted_iota(jnp.int32, (_B, _E), 1)
    eidx = jnp.min(jnp.where(probs == gate, col, _E), axis=1, keepdims=True)
    onehot = (col == eidx).astype(jnp.float32)

    r_i = lax.broadcasted_iota(jnp.int32, (_B, _B), 0)
    c_i = lax.broadcasted_iota(jnp.int32, (_B, _B), 1)
    tril = (c_i <= r_i).astype(jnp.float32)
    cs = lax.dot_general(tril, onehot, (((1,), (0,)), ((), ())),
                         preferred_element_type=jnp.float32)

    base = acc_ref[0:1, :]
    pos = (jnp.sum((cs + base) * onehot, axis=1, keepdims=True)
           - 1.0).astype(jnp.int32)
    keep = pos < _C
    gk = jnp.where(keep, gate, 0.0)
    dst = jnp.where(keep, eidx * _C + pos, _E * _C)
    gsrc = eidx * _C + jnp.minimum(pos, _C - 1)

    dst_ref[...] = dst
    gsrc_ref[...] = gsrc
    gk_ref[...] = gk

    acc_ref[0:1, :] = base + cs[_B - 1:_B, :]
    acc_ref[1:2, :] = acc_ref[1:2, :] + jnp.sum(probs, axis=0, keepdims=True)

    aux = jnp.sum(acc_ref[0:1, :] * acc_ref[1:2, :]) * (_E / (_T * _T))
    row0 = lax.broadcasted_iota(jnp.int32, (8, 128), 0) == 0
    col0 = lax.broadcasted_iota(jnp.int32, (8, 128), 1) == 0
    aux_ref[...] = jnp.where(row0 & col0, aux, 0.0)


def _route(x3, wg3):
    return pl.pallas_call(
        _route_body,
        grid=(_NB,),
        in_specs=[
            pl.BlockSpec((_B, _D), lambda i: (i, 0)),
            pl.BlockSpec((_D, _E), lambda i: (0, 0)),
        ],
        out_specs=[
            pl.BlockSpec((_B, _D // 2), lambda i: (i, 0)),
            pl.BlockSpec((_B, 1), lambda i: (i, 0)),
            pl.BlockSpec((_B, 1), lambda i: (i, 0)),
            pl.BlockSpec((_B, 1), lambda i: (i, 0)),
            pl.BlockSpec((8, 128), lambda i: (0, 0)),
        ],
        out_shape=[
            jax.ShapeDtypeStruct((_T, _D // 2), jnp.int32),
            jax.ShapeDtypeStruct((_T, 1), jnp.int32),
            jax.ShapeDtypeStruct((_T, 1), jnp.int32),
            jax.ShapeDtypeStruct((_T, 1), jnp.float32),
            jax.ShapeDtypeStruct((8, 128), jnp.float32),
        ],
        scratch_shapes=[pltpu.VMEM((8, _E), jnp.float32)],
        compiler_params=pltpu.CompilerParams(
            dimension_semantics=("arbitrary",)),
    )(x3, wg3)


_EPG = 2


def _ffn_body(buf_ref, w1_ref, b1_ref, w2_ref, b2_ref, y_ref):
    for ee in range(_EPG):
        w = buf_ref[ee * _C:(ee + 1) * _C]
        xlo = lax.bitcast_convert_type(w << 16, jnp.float32)
        xhi = lax.bitcast_convert_type(w & jnp.int32(-65536),
                                       jnp.float32)
        w1 = w1_ref[ee]
        h = (lax.dot_general(xlo, w1[:_D // 2], (((1,), (0,)), ((), ())),
                             preferred_element_type=jnp.float32)
             + lax.dot_general(xhi, w1[_D // 2:], (((1,), (0,)), ((), ())),
                               preferred_element_type=jnp.float32)
             + b1_ref[ee])
        h = jnp.maximum(h, 0.0)
        y = lax.dot_general(h, w2_ref[ee], (((1,), (0,)), ((), ())),
                            preferred_element_type=jnp.float32) + b2_ref[ee]

        def _rte(v):
            r = lax.bitcast_convert_type(v, jnp.int32)
            return r + (((r >> 16) & 1) + 0x7FFF)

        ylo = _rte(y[:, :_D // 2])
        yhi = _rte(y[:, _D // 2:])
        y_ref[ee * _C:(ee + 1) * _C] = (
            ((ylo >> 16) & 0xFFFF) | (yhi & jnp.int32(-65536)))


def _ffn(buf, w1, b1r, w2, b2r):
    return pl.pallas_call(
        _ffn_body,
        grid=(_E // _EPG,),
        in_specs=[
            pl.BlockSpec((_EPG * _C, _D // 2), lambda e: (e, 0)),
            pl.BlockSpec((_EPG, _D, _FF), lambda e: (e, 0, 0)),
            pl.BlockSpec((_EPG, 1, _FF), lambda e: (e, 0, 0)),
            pl.BlockSpec((_EPG, _FF, _D), lambda e: (e, 0, 0)),
            pl.BlockSpec((_EPG, 1, _D), lambda e: (e, 0, 0)),
        ],
        out_specs=pl.BlockSpec((_EPG * _C, _D // 2), lambda e: (e, 0)),
        out_shape=jax.ShapeDtypeStruct((_E * _C, _D // 2), jnp.int32),
        compiler_params=pltpu.CompilerParams(
            dimension_semantics=("arbitrary",)),
    )(buf, w1, b1r, w2, b2r)


_CHP = 32
_NP = _TPW // _CHP
_RING = 3


def _make_scatter():
    mesh = plsc.VectorSubcoreMesh(core_axis_name="c", subcore_axis_name="s")

    @functools.partial(
        pl.kernel,
        mesh=mesh,
        out_type=jax.ShapeDtypeStruct((_E * _C + _C, _D // 2), jnp.int32),
        scratch_types=[
            pltpu.VMEM((_RING, _CHP), jnp.int32),
            pltpu.VMEM((_RING, _CHP, _D // 2), jnp.int32),
            pltpu.SemaphoreType.DMA,
            pltpu.SemaphoreType.DMA,
            pltpu.SemaphoreType.DMA,
            pltpu.SemaphoreType.DMA,
            pltpu.SemaphoreType.DMA,
            pltpu.SemaphoreType.DMA,
        ],
    )
    def scatter_k(x_hbm, dst_hbm, buf_hbm, idx3, xb, g0, g1, g2, s0, s1, s2):
        gsem = (g0, g1, g2)
        ssem = (s0, s1, s2)
        w = lax.axis_index("s") * _NC + lax.axis_index("c")
        tok0 = w * _TPW
        stage, scat = {}, {}

        def issue_stage(k):
            stage[k] = pltpu.async_copy(
                x_hbm.at[pl.ds(tok0 + k * _CHP, _CHP)],
                xb.at[k % _RING], gsem[k % _RING])

        issue_stage(0)
        for k in range(_NP):
            if k + 1 < _NP:
                if k + 1 >= _RING:
                    scat[k + 1 - _RING].wait()
                issue_stage(k + 1)
            stage[k].wait()
            pltpu.sync_copy(dst_hbm.at[w * _NP + k], idx3.at[k % _RING])
            scat[k] = pltpu.async_copy(
                xb.at[k % _RING], buf_hbm.at[idx3.at[k % _RING]],
                ssem[k % _RING])
        for k in range(max(0, _NP - _RING), _NP):
            scat[k].wait()

    return scatter_k


def _make_combine():
    mesh = plsc.VectorSubcoreMesh(core_axis_name="c", subcore_axis_name="s")

    @functools.partial(
        pl.kernel,
        mesh=mesh,
        out_type=jax.ShapeDtypeStruct((_T, _D // 2), jnp.int32),
        scratch_types=[
            pltpu.VMEM((_TPW,), jnp.int32),
            pltpu.VMEM((_RING, _CHP, _D // 2), jnp.int32),
            pltpu.SemaphoreType.DMA,
            pltpu.SemaphoreType.DMA,
            pltpu.SemaphoreType.DMA,
            pltpu.SemaphoreType.DMA,
            pltpu.SemaphoreType.DMA,
        ],
    )
    def combine_k(y_hbm, gsrc_hbm, out_hbm,
                  idx_v, rows3, g0, g1, g2, s0, s1):
        gsem = (g0, g1, g2)
        ssem = (s0, s1)
        w = lax.axis_index("s") * _NC + lax.axis_index("c")
        tok0 = w * _TPW
        pltpu.sync_copy(gsrc_hbm.at[pl.ds(tok0, _TPW)], idx_v)
        gat, st = {}, {}

        def issue_gather(k):
            gat[k] = pltpu.async_copy(
                y_hbm.at[idx_v.at[pl.ds(k * _CHP, _CHP)]],
                rows3.at[k % _RING], gsem[k % _RING])

        issue_gather(0)
        for k in range(_NP):
            if k + 1 < _NP:
                if k + 1 >= _RING:
                    st[k + 1 - _RING].wait()
                issue_gather(k + 1)
            gat[k].wait()
            b = k % _RING
            st[k] = pltpu.async_copy(
                rows3.at[b], out_hbm.at[pl.ds(tok0 + k * _CHP, _CHP)],
                ssem[k % 2])
        for k in range(max(0, _NP - _RING), _NP):
            st[k].wait()

    return combine_k


_B2 = 512


def _finish_body(yg_ref, gk_ref, out_ref):
    wv = yg_ref[...]
    s = gk_ref[...]
    lo = lax.bitcast_convert_type(wv << 16, jnp.float32) * s
    hi = lax.bitcast_convert_type(wv & jnp.int32(-65536), jnp.float32) * s
    out_ref[...] = jnp.concatenate([lo, hi], axis=1)


def _finish(yg, gk):
    return pl.pallas_call(
        _finish_body,
        grid=(_T // _B2,),
        in_specs=[
            pl.BlockSpec((_B2, _D // 2), lambda i: (i, 0)),
            pl.BlockSpec((_B2, 1), lambda i: (i, 0)),
        ],
        out_specs=pl.BlockSpec((_B2, _D), lambda i: (i, 0)),
        out_shape=jax.ShapeDtypeStruct((_T, _D), jnp.float32),
        compiler_params=pltpu.CompilerParams(
            dimension_semantics=("arbitrary",)),
    )(yg, gk)


def kernel(input_data, Wg, W1, b1, W2, b2):
    xbf, dst, gsrc, gk, aux3 = _route(input_data.reshape(_T, _D), Wg)
    dst2 = dst.reshape(_NW * _NP, _CHP)
    gsrc1 = gsrc.reshape(_T)

    buf = _make_scatter()(xbf, dst2)
    y_e = _ffn(buf, W1, b1.reshape(_E, 1, _FF), W2, b2.reshape(_E, 1, _D))
    yg = _make_combine()(y_e, gsrc1)
    out_moe = _finish(yg, gk).reshape(input_data.shape)
    return out_moe, aux3[0, 0]

# --- scband reference (transcript-rebuilt; emitter-appended) ---
"""Pipeline reference for scband-modular-nn-66984309948538 (READ-ONLY COPY).

The authoritative reference and input builder live on the scoring server;
editing this copy changes nothing except your own understanding.
"""

import jax, jax.numpy as jnp
import numpy as np

DIM = 16
HID = 64
D = DIM * HID  # 1024, input_size = dim * hidden_dim
E = 64         # num_expert
K = 1          # top-k
FF = 512       # expert hidden width (ff)
CAP_FACTOR = 2.0


def setup_inputs(seed: int = 0) -> dict:
    key = jax.random.key(seed)
    ks = jax.random.split(key, 6)
    T = 4096
    input_data = jax.random.normal(ks[0], (T, DIM, HID), dtype=jnp.float32)
    Wg = jax.random.normal(ks[1], (D, E), dtype=jnp.float32) * 0.02
    W1 = jax.random.normal(ks[2], (E, D, FF), dtype=jnp.float32) * 0.02
    b1 = jnp.zeros((E, FF), dtype=jnp.float32)
    W2 = jax.random.normal(ks[3], (E, FF, D), dtype=jnp.float32) * 0.02
    b2 = jnp.zeros((E, D), dtype=jnp.float32)
    return {"input_data": input_data, "Wg": Wg, "W1": W1, "b1": b1, "W2": W2, "b2": b2}


def reference(input_data, Wg, W1, b1, W2, b2):
    # ModularNN.forward: reshape to (-1, dim*hidden_dim), route through MoE, reshape back
    x = input_data.reshape(-1, D)
    T = x.shape[0]
    C = int(CAP_FACTOR * T / E)  # per-expert capacity

    # --- gating (top-1 softmax gate) ---
    logits = x @ Wg                                  # [T, E]
    probs = jax.nn.softmax(logits, axis=-1)          # [T, E]
    gate = jnp.max(probs, axis=-1)                   # [T]
    eidx = jnp.argmax(probs, axis=-1)                # [T] int
    onehot = jax.nn.one_hot(eidx, E, dtype=jnp.float32)  # [T, E]

    # --- load-balancing auxiliary loss ---
    density = jnp.mean(onehot, axis=0)               # fraction of tokens per expert
    density_proxy = jnp.mean(probs, axis=0)          # mean router prob per expert
    aux_loss = jnp.sum(density * density_proxy) * E

    # --- dispatch: position of each token within its expert's buffer ---
    pos = (jnp.cumsum(onehot, axis=0) * onehot).sum(axis=-1).astype(jnp.int32) - 1  # [T]
    keep = (pos < C).astype(jnp.float32)             # drop overflow tokens
    pos_c = jnp.clip(pos, 0, C - 1)

    # scatter tokens into per-expert buffers [E, C, D] (SparseCore scatter-add)
    buf = jnp.zeros((E, C, D), dtype=jnp.float32)
    buf = buf.at[eidx, pos_c].add(x * keep[:, None])

    # --- expert feed-forward ---
    h = jax.nn.relu(jnp.einsum('ecd,edf->ecf', buf, W1) + b1[:, None, :])
    y_e = jnp.einsum('ecf,efd->ecd', h, W2) + b2[:, None, :]

    # --- combine: gather back per-token output, weight by gate ---
    y = y_e[eidx, pos_c] * (gate * keep)[:, None]    # [T, D]

    out_moe = y.reshape(-1, DIM, HID)
    return out_moe, aux_loss

if __name__ == "__main__":
    import jax
    _d = setup_inputs()
    print(jax.jit(kernel)(*tuple(_d.values())))

</pallas_src>

<mosaic_0001>
#map = affine_map<(d0, d1) -> (0, 0)>
#map1 = affine_map<(d0, d1) -> (0)>
module attributes {stable_mosaic.version = 14 : i64} {
  func.func @combine_k(%arg0: i32, %arg1: i32, %arg2: memref<8192x512xi32, #tpu.memory_space<hbm>>, %arg3: memref<4096xi32, #tpu.memory_space<hbm>>, %arg4: memref<4096x512xi32, #tpu.memory_space<hbm>>, %arg5: memref<128xi32, #tpu.memory_space<vmem>>, %arg6: memref<3x32x512xi32, #tpu.memory_space<vmem>>, %arg7: memref<!tpu.dma_semaphore, #tpu.memory_space<semaphore_mem>>, %arg8: memref<!tpu.dma_semaphore, #tpu.memory_space<semaphore_mem>>, %arg9: memref<!tpu.dma_semaphore, #tpu.memory_space<semaphore_mem>>, %arg10: memref<!tpu.dma_semaphore, #tpu.memory_space<semaphore_mem>>, %arg11: memref<!tpu.dma_semaphore, #tpu.memory_space<semaphore_mem>>) attributes {dimension_semantics = [#tpu.dimension_semantics<core_parallel>, #tpu.dimension_semantics<subcore_parallel>], iteration_bounds = array<i64: 2, 16>, scalar_prefetch = 0 : i64, scratch_operands = 7 : i64, tpu.core_type = #tpu.core_type<sc_vector_subcore>, window_params = [{transform_indices = #map}, {transform_indices = #map1}, {transform_indices = #map}]} {
    %mul3A = arith.constant 2 : i32
    %mul3A_0 = arith.muli %arg1, %mul3A : i32
    %add3A = arith.addi %mul3A_0, %arg0 : i32
    %mul3A_1 = arith.constant 128 : i32
    %mul3A_2 = arith.muli %add3A, %mul3A_1 : i32
    "tpu.region"() ({
      %run_scoped3A = tpu.sem_alloc : memref<!tpu.dma_semaphore, #tpu.memory_space<semaphore_mem>>
      %dma_start3A_193 = tpu.memref_slice %arg3[%mul3A_2] : memref<4096xi32, #tpu.memory_space<hbm>> -> memref<128xi32, #tpu.memory_space<hbm>>
      %dma_start3A_194 = tpu.memref_slice %arg3[%mul3A_2] : memref<4096xi32, #tpu.memory_space<hbm>> -> memref<128xi32, #tpu.memory_space<hbm>>
      tpu.enqueue_dma source(%dma_start3A_194 : memref<128xi32, #tpu.memory_space<hbm>>) target(%arg5 : memref<128xi32, #tpu.memory_space<vmem>>) target_semaphore(%run_scoped3A : memref<!tpu.dma_semaphore, #tpu.memory_space<semaphore_mem>>)
      %dma_wait3A_195 = tpu.memref_slice %arg3[%mul3A_2] : memref<4096xi32, #tpu.memory_space<hbm>> -> memref<128xi32, #tpu.memory_space<hbm>>
      %dma_wait3A_196 = tpu.memref_slice %arg3[%mul3A_2] : memref<4096xi32, #tpu.memory_space<hbm>> -> memref<128xi32, #tpu.memory_space<hbm>>
      tpu.wait_dma2 semaphore(%run_scoped3A : memref<!tpu.dma_semaphore, #tpu.memory_space<semaphore_mem>>) src(%dma_wait3A_196 : memref<128xi32, #tpu.memory_space<hbm>>) dst(%arg5 : memref<128xi32, #tpu.memory_space<vmem>>)
      tpu.yield
    }) : () -> ()
    %dma_start3A = arith.constant 0 : i32
    %dma_start3A_3 = arith.constant 0 : i32
    %dma_start3A_4 = arith.constant 0 : i32
    %dma_start3A_5 = tpu.memref_slice %arg6[%dma_start3A, %dma_start3A_3, %dma_start3A_4] : memref<3x32x512xi32, #tpu.memory_space<vmem>> -> memref<1x32x512xi32, #tpu.memory_space<vmem>>
    %dma_start3A_6 = tpu.memref_squeeze %dma_start3A_5 : memref<1x32x512xi32, #tpu.memory_space<vmem>> -> memref<32x512xi32, #tpu.memory_space<vmem>>
    %dma_start3A_7 = arith.constant 0 : i32
    %dma_start3A_8 = tpu.memref_slice %arg5[%dma_start3A_7] : memref<128xi32, #tpu.memory_space<vmem>> -> memref<32xi32, #tpu.memory_space<vmem>>
    %dma_start3A_9 = arith.constant 0 : i32
    %dma_start3A_10 = arith.constant 0 : i32
    %dma_start3A_11 = tpu.memref_slice %arg2[%dma_start3A_9, %dma_start3A_10] : memref<8192x512xi32, #tpu.memory_space<hbm>> -> memref<8192x512xi32, #tpu.memory_space<hbm>>
    tpu.enqueue_indirect_dma source(%dma_start3A_11 : memref<8192x512xi32, #tpu.memory_space<hbm>>) target(%dma_start3A_6 : memref<32x512xi32, #tpu.memory_space<vmem>>) offsets(%dma_start3A_8 : memref<32xi32, #tpu.memory_space<vmem>>) semaphore(%arg7 : memref<!tpu.dma_semaphore, #tpu.memory_space<semaphore_mem>>)
    %dma_start3A_12 = arith.constant 1 : i32
    %dma_start3A_13 = arith.constant 0 : i32
    %dma_start3A_14 = arith.constant 0 : i32
    %dma_start3A_15 = tpu.memref_slice %arg6[%dma_start3A_12, %dma_start3A_13, %dma_start3A_14] : memref<3x32x512xi32, #tpu.memory_space<vmem>> -> memref<1x32x512xi32, #tpu.memory_space<vmem>>
    %dma_start3A_16 = tpu.memref_squeeze %dma_start3A_15 : memref<1x32x512xi32, #tpu.memory_space<vmem>> -> memref<32x512xi32, #tpu.memory_space<vmem>>
    %dma_start3A_17 = arith.constant 32 : i32
    %dma_start3A_18 = tpu.memref_slice %arg5[%dma_start3A_17] : memref<128xi32, #tpu.memory_space<vmem>> -> memref<32xi32, #tpu.memory_space<vmem>>
    %dma_start3A_19 = arith.constant 0 : i32
    %dma_start3A_20 = arith.constant 0 : i32
    %dma_start3A_21 = tpu.memref_slice %arg2[%dma_start3A_19, %dma_start3A_20] : memref<8192x512xi32, #tpu.memory_space<hbm>> -> memref<8192x512xi32, #tpu.memory_space<hbm>>
    tpu.enqueue_indirect_dma source(%dma_start3A_21 : memref<8192x512xi32, #tpu.memory_space<hbm>>) target(%dma_start3A_16 : memref<32x512xi32, #tpu.memory_space<vmem>>) offsets(%dma_start3A_18 : memref<32xi32, #tpu.memory_space<vmem>>) semaphore(%arg8 : memref<!tpu.dma_semaphore, #tpu.memory_space<semaphore_mem>>)
    %dma_wait3A = arith.constant 0 : i32
    %dma_wait3A_22 = arith.constant 0 : i32
    %dma_wait3A_23 = arith.constant 0 : i32
    %dma_wait3A_24 = tpu.memref_slice %arg6[%dma_wait3A, %dma_wait3A_22, %dma_wait3A_23] : memref<3x32x512xi32, #tpu.memory_space<vmem>> -> memref<1x32x512xi32, #tpu.memory_space<vmem>>
    %dma_wait3A_25 = tpu.memref_squeeze %dma_wait3A_24 : memref<1x32x512xi32, #tpu.memory_space<vmem>> -> memref<32x512xi32, #tpu.memory_space<vmem>>
    %dma_wait3A_26 = arith.constant 0 : i32
    %dma_wait3A_27 = tpu.memref_slice %arg5[%dma_wait3A_26] : memref<128xi32, #tpu.memory_space<vmem>> -> memref<32xi32, #tpu.memory_space<vmem>>
    %dma_wait3A_28 = arith.constant 0 : i32
    %dma_wait3A_29 = arith.constant 0 : i32
    %dma_wait3A_30 = tpu.memref_slice %arg2[%dma_wait3A_28, %dma_wait3A_29] : memref<8192x512xi32, #tpu.memory_space<hbm>> -> memref<8192x512xi32, #tpu.memory_space<hbm>>
    tpu.wait_indirect_dma semaphore(%arg7 : memref<!tpu.dma_semaphore, #tpu.memory_space<semaphore_mem>>) src(%dma_wait3A_30 : memref<8192x512xi32, #tpu.memory_space<hbm>>) dst(%dma_wait3A_25 : memref<32x512xi32, #tpu.memory_space<vmem>>)
    %add3A_31 = arith.constant 0 : i32
    %add3A_32 = arith.addi %mul3A_2, %add3A_31 : i32
    %dma_start3A_33 = arith.constant 0 : i32
    %dma_start3A_34 = arith.constant 0 : i32
    %dma_start3A_35 = arith.constant 0 : i32
    %dma_start3A_36 = tpu.memref_slice %arg6[%dma_start3A_33, %dma_start3A_34, %dma_start3A_35] : memref<3x32x512xi32, #tpu.memory_space<vmem>> -> memref<1x32x512xi32, #tpu.memory_space<vmem>>
    %dma_start3A_37 = tpu.memref_squeeze %dma_start3A_36 : memref<1x32x512xi32, #tpu.memory_space<vmem>> -> memref<32x512xi32, #tpu.memory_space<vmem>>
    %dma_start3A_38 = arith.constant 0 : i32
    %dma_start3A_39 = tpu.memref_slice %arg4[%add3A_32, %dma_start3A_38] : memref<4096x512xi32, #tpu.memory_space<hbm>> -> memref<32x512xi32, #tpu.memory_space<hbm>>
    %dma_start3A_40 = arith.constant 0 : i32
    %dma_start3A_41 = tpu.memref_slice %arg4[%add3A_32, %dma_start3A_40] : memref<4096x512xi32, #tpu.memory_space<hbm>> -> memref<32x512xi32, #tpu.memory_space<hbm>>
    %dma_start3A_42 = arith.constant 0 : i32
    %dma_start3A_43 = arith.constant 0 : i32
    %dma_start3A_44 = tpu.memref_slice %arg6[%dma_start3A_33, %dma_start3A_42, %dma_start3A_43] : memref<3x32x512xi32, #tpu.memory_space<vmem>> -> memref<1x32x512xi32, #tpu.memory_space<vmem>>
    %dma_start3A_45 = tpu.memref_squeeze %dma_start3A_44 : memref<1x32x512xi32, #tpu.memory_space<vmem>> -> memref<32x512xi32, #tpu.memory_space<vmem>>
    tpu.enqueue_dma source(%dma_start3A_45 : memref<32x512xi32, #tpu.memory_space<vmem>>) target(%dma_start3A_41 : memref<32x512xi32, #tpu.memory_space<hbm>>) target_semaphore(%arg10 : memref<!tpu.dma_semaphore, #tpu.memory_space<semaphore_mem>>)
    %dma_start3A_46 = arith.constant 2 : i32
    %dma_start3A_47 = arith.constant 0 : i32
    %dma_start3A_48 = arith.constant 0 : i32
    %dma_start3A_49 = tpu.memref_slice %arg6[%dma_start3A_46, %dma_start3A_47, %dma_start3A_48] : memref<3x32x512xi32, #tpu.memory_space<vmem>> -> memref<1x32x512xi32, #tpu.memory_space<vmem>>
    %dma_start3A_50 = tpu.memref_squeeze %dma_start3A_49 : memref<1x32x512xi32, #tpu.memory_space<vmem>> -> memref<32x512xi32, #tpu.memory_space<vmem>>
    %dma_start3A_51 = arith.constant 64 : i32
    %dma_start3A_52 = tpu.memref_slice %arg5[%dma_start3A_51] : memref<128xi32, #tpu.memory_space<vmem>> -> memref<32xi32, #tpu.memory_space<vmem>>
    %dma_start3A_53 = arith.constant 0 : i32
    %dma_start3A_54 = arith.constant 0 : i32
    %dma_start3A_55 = tpu.memref_slice %arg2[%dma_start3A_53, %dma_start3A_54] : memref<8192x512xi32, #tpu.memory_space<hbm>> -> memref<8192x512xi32, #tpu.memory_space<hbm>>
    tpu.enqueue_indirect_dma source(%dma_start3A_55 : memref<8192x512xi32, #tpu.memory_space<hbm>>) target(%dma_start3A_50 : memref<32x512xi32, #tpu.memory_space<vmem>>) offsets(%dma_start3A_52 : memref<32xi32, #tpu.memory_space<vmem>>) semaphore(%arg9 : memref<!tpu.dma_semaphore, #tpu.memory_space<semaphore_mem>>)
    %dma_wait3A_56 = arith.constant 1 : i32
    %dma_wait3A_57 = arith.constant 0 : i32
    %dma_wait3A_58 = arith.constant 0 : i32
    %dma_wait3A_59 = tpu.memref_slice %arg6[%dma_wait3A_56, %dma_wait3A_57, %dma_wait3A_58] : memref<3x32x512xi32, #tpu.memory_space<vmem>> -> memref<1x32x512xi32, #tpu.memory_space<vmem>>
    %dma_wait3A_60 = tpu.memref_squeeze %dma_wait3A_59 : memref<1x32x512xi32, #tpu.memory_space<vmem>> -> memref<32x512xi32, #tpu.memory_space<vmem>>
    %dma_wait3A_61 = arith.constant 32 : i32
    %dma_wait3A_62 = tpu.memref_slice %arg5[%dma_wait3A_61] : memref<128xi32, #tpu.memory_space<vmem>> -> memref<32xi32, #tpu.memory_space<vmem>>
    %dma_wait3A_63 = arith.constant 0 : i32
    %dma_wait3A_64 = arith.constant 0 : i32
    %dma_wait3A_65 = tpu.memref_slice %arg2[%dma_wait3A_63, %dma_wait3A_64] : memref<8192x512xi32, #tpu.memory_space<hbm>> -> memref<8192x512xi32, #tpu.memory_space<hbm>>
    tpu.wait_indirect_dma semaphore(%arg8 : memref<!tpu.dma_semaphore, #tpu.memory_space<semaphore_mem>>) src(%dma_wait3A_65 : memref<8192x512xi32, #tpu.memory_space<hbm>>) dst(%dma_wait3A_60 : memref<32x512xi32, #tpu.memory_space<vmem>>)
    %add3A_66 = arith.constant 32 : i32
    %add3A_67 = arith.addi %mul3A_2, %add3A_66 : i32
    %dma_start3A_68 = arith.constant 1 : i32
    %dma_start3A_69 = arith.constant 0 : i32
    %dma_start3A_70 = arith.constant 0 : i32
    %dma_start3A_71 = tpu.memref_slice %arg6[%dma_start3A_68, %dma_start3A_69, %dma_start3A_70] : memref<3x32x512xi32, #tpu.memory_space<vmem>> -> memref<1x32x512xi32, #tpu.memory_space<vmem>>
    %dma_start3A_72 = tpu.memref_squeeze %dma_start3A_71 : memref<1x32x512xi32, #tpu.memory_space<vmem>> -> memref<32x512xi32, #tpu.memory_space<vmem>>
    %dma_start3A_73 = arith.constant 0 : i32
    %dma_start3A_74 = tpu.memref_slice %arg4[%add3A_67, %dma_start3A_73] : memref<4096x512xi32, #tpu.memory_space<hbm>> -> memref<32x512xi32, #tpu.memory_space<hbm>>
    %dma_start3A_75 = arith.constant 0 : i32
    %dma_start3A_76 = tpu.memref_slice %arg4[%add3A_67, %dma_start3A_75] : memref<4096x512xi32, #tpu.memory_space<hbm>> -> memref<32x512xi32, #tpu.memory_space<hbm>>
    %dma_start3A_77 = arith.constant 0 : i32
    %dma_start3A_78 = arith.constant 0 : i32
    %dma_start3A_79 = tpu.memref_slice %arg6[%dma_start3A_68, %dma_start3A_77, %dma_start3A_78] : memref<3x32x512xi32, #tpu.memory_space<vmem>> -> memref<1x32x512xi32, #tpu.memory_space<vmem>>
    %dma_start3A_80 = tpu.memref_squeeze %dma_start3A_79 : memref<1x32x512xi32, #tpu.memory_space<vmem>> -> memref<32x512xi32, #tpu.memory_space<vmem>>
    tpu.enqueue_dma source(%dma_start3A_80 : memref<32x512xi32, #tpu.memory_space<vmem>>) target(%dma_start3A_76 : memref<32x512xi32, #tpu.memory_space<hbm>>) target_semaphore(%arg11 : memref<!tpu.dma_semaphore, #tpu.memory_space<semaphore_mem>>)
    %dma_wait3A_81 = arith.constant 0 : i32
    %dma_wait3A_82 = arith.constant 0 : i32
    %dma_wait3A_83 = arith.constant 0 : i32
    %dma_wait3A_84 = tpu.memref_slice %arg6[%dma_wait3A_81, %dma_wait3A_82, %dma_wait3A_83] : memref<3x32x512xi32, #tpu.memory_space<vmem>> -> memref<1x32x512xi32, #tpu.memory_space<vmem>>
    %dma_wait3A_85 = tpu.memref_squeeze %dma_wait3A_84 : memref<1x32x512xi32, #tpu.memory_space<vmem>> -> memref<32x512xi32, #tpu.memory_space<vmem>>
    %dma_wait3A_86 = arith.constant 0 : i32
    %dma_wait3A_87 = tpu.memref_slice %arg4[%add3A_32, %dma_wait3A_86] : memref<4096x512xi32, #tpu.memory_space<hbm>> -> memref<32x512xi32, #tpu.memory_space<hbm>>
    %dma_wait3A_88 = arith.constant 0 : i32
    %dma_wait3A_89 = tpu.memref_slice %arg4[%add3A_32, %dma_wait3A_88] : memref<4096x512xi32, #tpu.memory_space<hbm>> -> memref<32x512xi32, #tpu.memory_space<hbm>>
    %dma_wait3A_90 = arith.constant 0 : i32
    %dma_wait3A_91 = arith.constant 0 : i32
    %dma_wait3A_92 = tpu.memref_slice %arg6[%dma_wait3A_81, %dma_wait3A_90, %dma_wait3A_91] : memref<3x32x512xi32, #tpu.memory_space<vmem>> -> memref<1x32x512xi32, #tpu.memory_space<vmem>>
    %dma_wait3A_93 = tpu.memref_squeeze %dma_wait3A_92 : memref<1x32x512xi32, #tpu.memory_space<vmem>> -> memref<32x512xi32, #tpu.memory_space<vmem>>
    tpu.wait_dma2 semaphore(%arg10 : memref<!tpu.dma_semaphore, #tpu.memory_space<semaphore_mem>>) src(%dma_wait3A_93 : memref<32x512xi32, #tpu.memory_space<vmem>>) dst(%dma_wait3A_89 : memref<32x512xi32, #tpu.memory_space<hbm>>)
    %dma_start3A_94 = arith.constant 0 : i32
    %dma_start3A_95 = arith.constant 0 : i32
    %dma_start3A_96 = arith.constant 0 : i32
    %dma_start3A_97 = tpu.memref_slice %arg6[%dma_start3A_94, %dma_start3A_95, %dma_start3A_96] : memref<3x32x512xi32, #tpu.memory_space<vmem>> -> memref<1x32x512xi32, #tpu.memory_space<vmem>>
    %dma_start3A_98 = tpu.memref_squeeze %dma_start3A_97 : memref<1x32x512xi32, #tpu.memory_space<vmem>> -> memref<32x512xi32, #tpu.memory_space<vmem>>
    %dma_start3A_99 = arith.constant 96 : i32
    %dma_start3A_100 = tpu.memref_slice %arg5[%dma_start3A_99] : memref<128xi32, #tpu.memory_space<vmem>> -> memref<32xi32, #tpu.memory_space<vmem>>
    %dma_start3A_101 = arith.constant 0 : i32
    %dma_start3A_102 = arith.constant 0 : i32
    %dma_start3A_103 = tpu.memref_slice %arg2[%dma_start3A_101, %dma_start3A_102] : memref<8192x512xi32, #tpu.memory_space<hbm>> -> memref<8192x512xi32, #tpu.memory_space<hbm>>
    tpu.enqueue_indirect_dma source(%dma_start3A_103 : memref<8192x512xi32, #tpu.memory_space<hbm>>) target(%dma_start3A_98 : memref<32x512xi32, #tpu.memory_space<vmem>>) offsets(%dma_start3A_100 : memref<32xi32, #tpu.memory_space<vmem>>) semaphore(%arg7 : memref<!tpu.dma_semaphore, #tpu.memory_space<semaphore_mem>>)
    %dma_wait3A_104 = arith.constant 2 : i32
    %dma_wait3A_105 = arith.constant 0 : i32
    %dma_wait3A_106 = arith.constant 0 : i32
    %dma_wait3A_107 = tpu.memref_slice %arg6[%dma_wait3A_104, %dma_wait3A_105, %dma_wait3A_106] : memref<3x32x512xi32, #tpu.memory_space<vmem>> -> memref<1x32x512xi32, #tpu.memory_space<vmem>>
    %dma_wait3A_108 = tpu.memref_squeeze %dma_wait3A_107 : memref<1x32x512xi32, #tpu.memory_space<vmem>> -> memref<32x512xi32, #tpu.memory_space<vmem>>
    %dma_wait3A_109 = arith.constant 64 : i32
    %dma_wait3A_110 = tpu.memref_slice %arg5[%dma_wait3A_109] : memref<128xi32, #tpu.memory_space<vmem>> -> memref<32xi32, #tpu.memory_space<vmem>>
    %dma_wait3A_111 = arith.constant 0 : i32
    %dma_wait3A_112 = arith.constant 0 : i32
    %dma_wait3A_113 = tpu.memref_slice %arg2[%dma_wait3A_111, %dma_wait3A_112] : memref<8192x512xi32, #tpu.memory_space<hbm>> -> memref<8192x512xi32, #tpu.memory_space<hbm>>
    tpu.wait_indirect_dma semaphore(%arg9 : memref<!tpu.dma_semaphore, #tpu.memory_space<semaphore_mem>>) src(%dma_wait3A_113 : memref<8192x512xi32, #tpu.memory_space<hbm>>) dst(%dma_wait3A_108 : memref<32x512xi32, #tpu.memory_space<vmem>>)
    %add3A_114 = arith.constant 64 : i32
    %add3A_115 = arith.addi %mul3A_2, %add3A_114 : i32
    %dma_start3A_116 = arith.constant 2 : i32
    %dma_start3A_117 = arith.constant 0 : i32
    %dma_start3A_118 = arith.constant 0 : i32
    %dma_start3A_119 = tpu.memref_slice %arg6[%dma_start3A_116, %dma_start3A_117, %dma_start3A_118] : memref<3x32x512xi32, #tpu.memory_space<vmem>> -> memref<1x32x512xi32, #tpu.memory_space<vmem>>
    %dma_start3A_120 = tpu.memref_squeeze %dma_start3A_119 : memref<1x32x512xi32, #tpu.memory_space<vmem>> -> memref<32x512xi32, #tpu.memory_space<vmem>>
    %dma_start3A_121 = arith.constant 0 : i32
    %dma_start3A_122 = tpu.memref_slice %arg4[%add3A_115, %dma_start3A_121] : memref<4096x512xi32, #tpu.memory_space<hbm>> -> memref<32x512xi32, #tpu.memory_space<hbm>>
    %dma_start3A_123 = arith.constant 0 : i32
    %dma_start3A_124 = tpu.memref_slice %arg4[%add3A_115, %dma_start3A_123] : memref<4096x512xi32, #tpu.memory_space<hbm>> -> memref<32x512xi32, #tpu.memory_space<hbm>>
    %dma_start3A_125 = arith.constant 0 : i32
    %dma_start3A_126 = arith.constant 0 : i32
    %dma_start3A_127 = tpu.memref_slice %arg6[%dma_start3A_116, %dma_start3A_125, %dma_start3A_126] : memref<3x32x512xi32, #tpu.memory_space<vmem>> -> memref<1x32x512xi32, #tpu.memory_space<vmem>>
    %dma_start3A_128 = tpu.memref_squeeze %dma_start3A_127 : memref<1x32x512xi32, #tpu.memory_space<vmem>> -> memref<32x512xi32, #tpu.memory_space<vmem>>
    tpu.enqueue_dma source(%dma_start3A_128 : memref<32x512xi32, #tpu.memory_space<vmem>>) target(%dma_start3A_124 : memref<32x512xi32, #tpu.memory_space<hbm>>) target_semaphore(%arg10 : memref<!tpu.dma_semaphore, #tpu.memory_space<semaphore_mem>>)
    %dma_wait3A_129 = arith.constant 0 : i32
    %dma_wait3A_130 = arith.constant 0 : i32
    %dma_wait3A_131 = arith.constant 0 : i32
    %dma_wait3A_132 = tpu.memref_slice %arg6[%dma_wait3A_129, %dma_wait3A_130, %dma_wait3A_131] : memref<3x32x512xi32, #tpu.memory_space<vmem>> -> memref<1x32x512xi32, #tpu.memory_space<vmem>>
    %dma_wait3A_133 = tpu.memref_squeeze %dma_wait3A_132 : memref<1x32x512xi32, #tpu.memory_space<vmem>> -> memref<32x512xi32, #tpu.memory_space<vmem>>
    %dma_wait3A_134 = arith.constant 96 : i32
    %dma_wait3A_135 = tpu.memref_slice %arg5[%dma_wait3A_134] : memref<128xi32, #tpu.memory_space<vmem>> -> memref<32xi32, #tpu.memory_space<vmem>>
    %dma_wait3A_136 = arith.constant 0 : i32
    %dma_wait3A_137 = arith.constant 0 : i32
    %dma_wait3A_138 = tpu.memref_slice %arg2[%dma_wait3A_136, %dma_wait3A_137] : memref<8192x512xi32, #tpu.memory_space<hbm>> -> memref<8192x512xi32, #tpu.memory_space<hbm>>
    tpu.wait_indirect_dma semaphore(%arg7 : memref<!tpu.dma_semaphore, #tpu.memory_space<semaphore_mem>>) src(%dma_wait3A_138 : memref<8192x512xi32, #tpu.memory_space<hbm>>) dst(%dma_wait3A_133 : memref<32x512xi32, #tpu.memory_space<vmem>>)
    %add3A_139 = arith.constant 96 : i32
    %add3A_140 = arith.addi %mul3A_2, %add3A_139 : i32
    %dma_start3A_141 = arith.constant 0 : i32
    %dma_start3A_142 = arith.constant 0 : i32
    %dma_start3A_143 = arith.constant 0 : i32
    %dma_start3A_144 = tpu.memref_slice %arg6[%dma_start3A_141, %dma_start3A_142, %dma_start3A_143] : memref<3x32x512xi32, #tpu.memory_space<vmem>> -> memref<1x32x512xi32, #tpu.memory_space<vmem>>
    %dma_start3A_145 = tpu.memref_squeeze %dma_start3A_144 : memref<1x32x512xi32, #tpu.memory_space<vmem>> -> memref<32x512xi32, #tpu.memory_space<vmem>>
    %dma_start3A_146 = arith.constant 0 : i32
    %dma_start3A_147 = tpu.memref_slice %arg4[%add3A_140, %dma_start3A_146] : memref<4096x512xi32, #tpu.memory_space<hbm>> -> memref<32x512xi32, #tpu.memory_space<hbm>>
    %dma_start3A_148 = arith.constant 0 : i32
    %dma_start3A_149 = tpu.memref_slice %arg4[%add3A_140, %dma_start3A_148] : memref<4096x512xi32, #tpu.memory_space<hbm>> -> memref<32x512xi32, #tpu.memory_space<hbm>>
    %dma_start3A_150 = arith.constant 0 : i32
    %dma_start3A_151 = arith.constant 0 : i32
    %dma_start3A_152 = tpu.memref_slice %arg6[%dma_start3A_141, %dma_start3A_150, %dma_start3A_151] : memref<3x32x512xi32, #tpu.memory_space<vmem>> -> memref<1x32x512xi32, #tpu.memory_space<vmem>>
    %dma_start3A_153 = tpu.memref_squeeze %dma_start3A_152 : memref<1x32x512xi32, #tpu.memory_space<vmem>> -> memref<32x512xi32, #tpu.memory_space<vmem>>
    tpu.enqueue_dma source(%dma_start3A_153 : memref<32x512xi32, #tpu.memory_space<vmem>>) target(%dma_start3A_149 : memref<32x512xi32, #tpu.memory_space<hbm>>) target_semaphore(%arg11 : memref<!tpu.dma_semaphore, #tpu.memory_space<semaphore_mem>>)
    %dma_wait3A_154 = arith.constant 1 : i32
    %dma_wait3A_155 = arith.constant 0 : i32
    %dma_wait3A_156 = arith.constant 0 : i32
    %dma_wait3A_157 = tpu.memref_slice %arg6[%dma_wait3A_154, %dma_wait3A_155, %dma_wait3A_156] : memref<3x32x512xi32, #tpu.memory_space<vmem>> -> memref<1x32x512xi32, #tpu.memory_space<vmem>>
    %dma_wait3A_158 = tpu.memref_squeeze %dma_wait3A_157 : memref<1x32x512xi32, #tpu.memory_space<vmem>> -> memref<32x512xi32, #tpu.memory_space<vmem>>
    %dma_wait3A_159 = arith.constant 0 : i32
    %dma_wait3A_160 = tpu.memref_slice %arg4[%add3A_67, %dma_wait3A_159] : memref<4096x512xi32, #tpu.memory_space<hbm>> -> memref<32x512xi32, #tpu.memory_space<hbm>>
    %dma_wait3A_161 = arith.constant 0 : i32
    %dma_wait3A_162 = tpu.memref_slice %arg4[%add3A_67, %dma_wait3A_161] : memref<4096x512xi32, #tpu.memory_space<hbm>> -> memref<32x512xi32, #tpu.memory_space<hbm>>
    %dma_wait3A_163 = arith.constant 0 : i32
    %dma_wait3A_164 = arith.constant 0 : i32
    %dma_wait3A_165 = tpu.memref_slice %arg6[%dma_wait3A_154, %dma_wait3A_163, %dma_wait3A_164] : memref<3x32x512xi32, #tpu.memory_space<vmem>> -> memref<1x32x512xi32, #tpu.memory_space<vmem>>
    %dma_wait3A_166 = tpu.memref_squeeze %dma_wait3A_165 : memref<1x32x512xi32, #tpu.memory_space<vmem>> -> memref<32x512xi32, #tpu.memory_space<vmem>>
    tpu.wait_dma2 semaphore(%arg11 : memref<!tpu.dma_semaphore, #tpu.memory_space<semaphore_mem>>) src(%dma_wait3A_166 : memref<32x512xi32, #tpu.memory_space<vmem>>) dst(%dma_wait3A_162 : memref<32x512xi32, #tpu.memory_space<hbm>>)
    %dma_wait3A_167 = arith.constant 2 : i32
    %dma_wait3A_168 = arith.constant 0 : i32
    %dma_wait3A_169 = arith.constant 0 : i32
    %dma_wait3A_170 = tpu.memref_slice %arg6[%dma_wait3A_167, %dma_wait3A_168, %dma_wait3A_169] : memref<3x32x512xi32, #tpu.memory_space<vmem>> -> memref<1x32x512xi32, #tpu.memory_space<vmem>>
    %dma_wait3A_171 = tpu.memref_squeeze %dma_wait3A_170 : memref<1x32x512xi32, #tpu.memory_space<vmem>> -> memref<32x512xi32, #tpu.memory_space<vmem>>
    %dma_wait3A_172 = arith.constant 0 : i32
    %dma_wait3A_173 = tpu.memref_slice %arg4[%add3A_115, %dma_wait3A_172] : memref<4096x512xi32, #tpu.memory_space<hbm>> -> memref<32x512xi32, #tpu.memory_space<hbm>>
    %dma_wait3A_174 = arith.constant 0 : i32
    %dma_wait3A_175 = tpu.memref_slice %arg4[%add3A_115, %dma_wait3A_174] : memref<4096x512xi32, #tpu.memory_space<hbm>> -> memref<32x512xi32, #tpu.memory_space<hbm>>
    %dma_wait3A_176 = arith.constant 0 : i32
    %dma_wait3A_177 = arith.constant 0 : i32
    %dma_wait3A_178 = tpu.memref_slice %arg6[%dma_wait3A_167, %dma_wait3A_176, %dma_wait3A_177] : memref<3x32x512xi32, #tpu.memory_space<vmem>> -> memref<1x32x512xi32, #tpu.memory_space<vmem>>
    %dma_wait3A_179 = tpu.memref_squeeze %dma_wait3A_178 : memref<1x32x512xi32, #tpu.memory_space<vmem>> -> memref<32x512xi32, #tpu.memory_space<vmem>>
    tpu.wait_dma2 semaphore(%arg10 : memref<!tpu.dma_semaphore, #tpu.memory_space<semaphore_mem>>) src(%dma_wait3A_179 : memref<32x512xi32, #tpu.memory_space<vmem>>) dst(%dma_wait3A_175 : memref<32x512xi32, #tpu.memory_space<hbm>>)
    %dma_wait3A_180 = arith.constant 0 : i32
    %dma_wait3A_181 = arith.constant 0 : i32
    %dma_wait3A_182 = arith.constant 0 : i32
    %dma_wait3A_183 = tpu.memref_slice %arg6[%dma_wait3A_180, %dma_wait3A_181, %dma_wait3A_182] : memref<3x32x512xi32, #tpu.memory_space<vmem>> -> memref<1x32x512xi32, #tpu.memory_space<vmem>>
    %dma_wait3A_184 = tpu.memref_squeeze %dma_wait3A_183 : memref<1x32x512xi32, #tpu.memory_space<vmem>> -> memref<32x512xi32, #tpu.memory_space<vmem>>
    %dma_wait3A_185 = arith.constant 0 : i32
    %dma_wait3A_186 = tpu.memref_slice %arg4[%add3A_140, %dma_wait3A_185] : memref<4096x512xi32, #tpu.memory_space<hbm>> -> memref<32x512xi32, #tpu.memory_space<hbm>>
    %dma_wait3A_187 = arith.constant 0 : i32
    %dma_wait3A_188 = tpu.memref_slice %arg4[%add3A_140, %dma_wait3A_187] : memref<4096x512xi32, #tpu.memory_space<hbm>> -> memref<32x512xi32, #tpu.memory_space<hbm>>
    %dma_wait3A_189 = arith.constant 0 : i32
    %dma_wait3A_190 = arith.constant 0 : i32
    %dma_wait3A_191 = tpu.memref_slice %arg6[%dma_wait3A_180, %dma_wait3A_189, %dma_wait3A_190] : memref<3x32x512xi32, #tpu.memory_space<vmem>> -> memref<1x32x512xi32, #tpu.memory_space<vmem>>
    %dma_wait3A_192 = tpu.memref_squeeze %dma_wait3A_191 : memref<1x32x512xi32, #tpu.memory_space<vmem>> -> memref<32x512xi32, #tpu.memory_space<vmem>>
    tpu.wait_dma2 semaphore(%arg11 : memref<!tpu.dma_semaphore, #tpu.memory_space<semaphore_mem>>) src(%dma_wait3A_192 : memref<32x512xi32, #tpu.memory_space<vmem>>) dst(%dma_wait3A_188 : memref<32x512xi32, #tpu.memory_space<hbm>>)
    return
  }
}

#map = affine_map<(d0, d1) -> (0, 0)>
module attributes {stable_mosaic.version = 14 : i64} {
  func.func @scatter_k(%arg0: i32, %arg1: i32, %arg2: memref<4096x512xi32, #tpu.memory_space<hbm>>, %arg3: memref<128x32xi32, #tpu.memory_space<hbm>>, %arg4: memref<8320x512xi32, #tpu.memory_space<hbm>>, %arg5: memref<3x32xi32, #tpu.memory_space<vmem>>, %arg6: memref<3x32x512xi32, #tpu.memory_space<vmem>>, %arg7: memref<!tpu.dma_semaphore, #tpu.memory_space<semaphore_mem>>, %arg8: memref<!tpu.dma_semaphore, #tpu.memory_space<semaphore_mem>>, %arg9: memref<!tpu.dma_semaphore, #tpu.memory_space<semaphore_mem>>, %arg10: memref<!tpu.dma_semaphore, #tpu.memory_space<semaphore_mem>>, %arg11: memref<!tpu.dma_semaphore, #tpu.memory_space<semaphore_mem>>, %arg12: memref<!tpu.dma_semaphore, #tpu.memory_space<semaphore_mem>>) attributes {dimension_semantics = [#tpu.dimension_semantics<core_parallel>, #tpu.dimension_semantics<subcore_parallel>], iteration_bounds = array<i64: 2, 16>, scalar_prefetch = 0 : i64, scratch_operands = 8 : i64, tpu.core_type = #tpu.core_type<sc_vector_subcore>, window_params = [{transform_indices = #map}, {transform_indices = #map}, {transform_indices = #map}]} {
    %mul3A = arith.constant 2 : i32
    %mul3A_0 = arith.muli %arg1, %mul3A : i32
    %add3A = arith.addi %mul3A_0, %arg0 : i32
    %mul3A_1 = arith.constant 128 : i32
    %mul3A_2 = arith.muli %add3A, %mul3A_1 : i32
    %add3A_3 = arith.constant 0 : i32
    %add3A_4 = arith.addi %mul3A_2, %add3A_3 : i32
    %dma_start3A = arith.constant 0 : i32
    %dma_start3A_5 = arith.constant 0 : i32
    %dma_start3A_6 = arith.constant 0 : i32
    %dma_start3A_7 = tpu.memref_slice %arg6[%dma_start3A, %dma_start3A_5, %dma_start3A_6] : memref<3x32x512xi32, #tpu.memory_space<vmem>> -> memref<1x32x512xi32, #tpu.memory_space<vmem>>
    %dma_start3A_8 = tpu.memref_squeeze %dma_start3A_7 : memref<1x32x512xi32, #tpu.memory_space<vmem>> -> memref<32x512xi32, #tpu.memory_space<vmem>>
    %dma_start3A_9 = arith.constant 0 : i32
    %dma_start3A_10 = tpu.memref_slice %arg2[%add3A_4, %dma_start3A_9] : memref<4096x512xi32, #tpu.memory_space<hbm>> -> memref<32x512xi32, #tpu.memory_space<hbm>>
    %dma_start3A_11 = arith.constant 0 : i32
    %dma_start3A_12 = arith.constant 0 : i32
    %dma_start3A_13 = tpu.memref_slice %arg6[%dma_start3A, %dma_start3A_11, %dma_start3A_12] : memref<3x32x512xi32, #tpu.memory_space<vmem>> -> memref<1x32x512xi32, #tpu.memory_space<vmem>>
    %dma_start3A_14 = tpu.memref_squeeze %dma_start3A_13 : memref<1x32x512xi32, #tpu.memory_space<vmem>> -> memref<32x512xi32, #tpu.memory_space<vmem>>
    %dma_start3A_15 = arith.constant 0 : i32
    %dma_start3A_16 = tpu.memref_slice %arg2[%add3A_4, %dma_start3A_15] : memref<4096x512xi32, #tpu.memory_space<hbm>> -> memref<32x512xi32, #tpu.memory_space<hbm>>
    tpu.enqueue_dma source(%dma_start3A_16 : memref<32x512xi32, #tpu.memory_space<hbm>>) target(%dma_start3A_14 : memref<32x512xi32, #tpu.memory_space<vmem>>) target_semaphore(%arg7 : memref<!tpu.dma_semaphore, #tpu.memory_space<semaphore_mem>>)
    %add3A_17 = arith.constant 32 : i32
    %add3A_18 = arith.addi %mul3A_2, %add3A_17 : i32
    %dma_start3A_19 = arith.constant 1 : i32
    %dma_start3A_20 = arith.constant 0 : i32
    %dma_start3A_21 = arith.constant 0 : i32
    %dma_start3A_22 = tpu.memref_slice %arg6[%dma_start3A_19, %dma_start3A_20, %dma_start3A_21] : memref<3x32x512xi32, #tpu.memory_space<vmem>> -> memref<1x32x512xi32, #tpu.memory_space<vmem>>
    %dma_start3A_23 = tpu.memref_squeeze %dma_start3A_22 : memref<1x32x512xi32, #tpu.memory_space<vmem>> -> memref<32x512xi32, #tpu.memory_space<vmem>>
    %dma_start3A_24 = arith.constant 0 : i32
    %dma_start3A_25 = tpu.memref_slice %arg2[%add3A_18, %dma_start3A_24] : memref<4096x512xi32, #tpu.memory_space<hbm>> -> memref<32x512xi32, #tpu.memory_space<hbm>>
    %dma_start3A_26 = arith.constant 0 : i32
    %dma_start3A_27 = arith.constant 0 : i32
    %dma_start3A_28 = tpu.memref_slice %arg6[%dma_start3A_19, %dma_start3A_26, %dma_start3A_27] : memref<3x32x512xi32, #tpu.memory_space<vmem>> -> memref<1x32x512xi32, #tpu.memory_space<vmem>>
    %dma_start3A_29 = tpu.memref_squeeze %dma_start3A_28 : memref<1x32x512xi32, #tpu.memory_space<vmem>> -> memref<32x512xi32, #tpu.memory_space<vmem>>
    %dma_start3A_30 = arith.constant 0 : i32
    %dma_start3A_31 = tpu.memref_slice %arg2[%add3A_18, %dma_start3A_30] : memref<4096x512xi32, #tpu.memory_space<hbm>> -> memref<32x512xi32, #tpu.memory_space<hbm>>
    tpu.enqueue_dma source(%dma_start3A_31 : memref<32x512xi32, #tpu.memory_space<hbm>>) target(%dma_start3A_29 : memref<32x512xi32, #tpu.memory_space<vmem>>) target_semaphore(%arg8 : memref<!tpu.dma_semaphore, #tpu.memory_space<semaphore_mem>>)
    %dma_wait3A = arith.constant 0 : i32
    %dma_wait3A_32 = arith.constant 0 : i32
    %dma_wait3A_33 = arith.constant 0 : i32
    %dma_wait3A_34 = tpu.memref_slice %arg6[%dma_wait3A, %dma_wait3A_32, %dma_wait3A_33] : memref<3x32x512xi32, #tpu.memory_space<vmem>> -> memref<1x32x512xi32, #tpu.memory_space<vmem>>
    %dma_wait3A_35 = tpu.memref_squeeze %dma_wait3A_34 : memref<1x32x512xi32, #tpu.memory_space<vmem>> -> memref<32x512xi32, #tpu.memory_space<vmem>>
    %dma_wait3A_36 = arith.constant 0 : i32
    %dma_wait3A_37 = tpu.memref_slice %arg2[%add3A_4, %dma_wait3A_36] : memref<4096x512xi32, #tpu.memory_space<hbm>> -> memref<32x512xi32, #tpu.memory_space<hbm>>
    %dma_wait3A_38 = arith.constant 0 : i32
    %dma_wait3A_39 = arith.constant 0 : i32
    %dma_wait3A_40 = tpu.memref_slice %arg6[%dma_wait3A, %dma_wait3A_38, %dma_wait3A_39] : memref<3x32x512xi32, #tpu.memory_space<vmem>> -> memref<1x32x512xi32, #tpu.memory_space<vmem>>
    %dma_wait3A_41 = tpu.memref_squeeze %dma_wait3A_40 : memref<1x32x512xi32, #tpu.memory_space<vmem>> -> memref<32x512xi32, #tpu.memory_space<vmem>>
    %dma_wait3A_42 = arith.constant 0 : i32
    %dma_wait3A_43 = tpu.memref_slice %arg2[%add3A_4, %dma_wait3A_42] : memref<4096x512xi32, #tpu.memory_space<hbm>> -> memref<32x512xi32, #tpu.memory_space<hbm>>
    tpu.wait_dma2 semaphore(%arg7 : memref<!tpu.dma_semaphore, #tpu.memory_space<semaphore_mem>>) src(%dma_wait3A_43 : memref<32x512xi32, #tpu.memory_space<hbm>>) dst(%dma_wait3A_41 : memref<32x512xi32, #tpu.memory_space<vmem>>)
    %mul3A_44 = arith.constant 4 : i32
    %mul3A_45 = arith.muli %add3A, %mul3A_44 : i32
    %add3A_46 = arith.constant 0 : i32
    %add3A_47 = arith.addi %mul3A_45, %add3A_46 : i32
    %run_scoped3A = arith.constant 0 : i32
    "tpu.region"() ({
      %run_scoped3A_228 = tpu.sem_alloc : memref<!tpu.dma_semaphore, #tpu.memory_space<semaphore_mem>>
      %dma_start3A_229 = arith.constant 0 : i32
      %dma_start3A_230 = tpu.memref_slice %arg5[%run_scoped3A, %dma_start3A_229] : memref<3x32xi32, #tpu.memory_space<vmem>> -> memref<1x32xi32, #tpu.memory_space<vmem>>
      %dma_start3A_231 = tpu.memref_squeeze %dma_start3A_230 : memref<1x32xi32, #tpu.memory_space<vmem>> -> memref<32xi32, #tpu.memory_space<vmem>>
      %dma_start3A_232 = arith.constant 0 : i32
      %dma_start3A_233 = tpu.memref_slice %arg3[%add3A_47, %dma_start3A_232] : memref<128x32xi32, #tpu.memory_space<hbm>> -> memref<1x32xi32, #tpu.memory_space<hbm>>
      %dma_start3A_234 = tpu.memref_squeeze %dma_start3A_233 : memref<1x32xi32, #tpu.memory_space<hbm>> -> memref<32xi32, #tpu.memory_space<hbm>>
      %dma_start3A_235 = arith.constant 0 : i32
      %dma_start3A_236 = tpu.memref_slice %arg5[%run_scoped3A, %dma_start3A_235] : memref<3x32xi32, #tpu.memory_space<vmem>> -> memref<1x32xi32, #tpu.memory_space<vmem>>
      %dma_start3A_237 = tpu.memref_squeeze %dma_start3A_236 : memref<1x32xi32, #tpu.memory_space<vmem>> -> memref<32xi32, #tpu.memory_space<vmem>>
      %dma_start3A_238 = arith.constant 0 : i32
      %dma_start3A_239 = tpu.memref_slice %arg3[%add3A_47, %dma_start3A_238] : memref<128x32xi32, #tpu.memory_space<hbm>> -> memref<1x32xi32, #tpu.memory_space<hbm>>
      %dma_start3A_240 = tpu.memref_squeeze %dma_start3A_239 : memref<1x32xi32, #tpu.memory_space<hbm>> -> memref<32xi32, #tpu.memory_space<hbm>>
      tpu.enqueue_dma source(%dma_start3A_240 : memref<32xi32, #tpu.memory_space<hbm>>) target(%dma_start3A_237 : memref<32xi32, #tpu.memory_space<vmem>>) target_semaphore(%run_scoped3A_228 : memref<!tpu.dma_semaphore, #tpu.memory_space<semaphore_mem>>)
      %dma_wait3A_241 = arith.constant 0 : i32
      %dma_wait3A_242 = tpu.memref_slice %arg5[%run_scoped3A, %dma_wait3A_241] : memref<3x32xi32, #tpu.memory_space<vmem>> -> memref<1x32xi32, #tpu.memory_space<vmem>>
      %dma_wait3A_243 = tpu.memref_squeeze %dma_wait3A_242 : memref<1x32xi32, #tpu.memory_space<vmem>> -> memref<32xi32, #tpu.memory_space<vmem>>
      %dma_wait3A_244 = arith.constant 0 : i32
      %dma_wait3A_245 = tpu.memref_slice %arg3[%add3A_47, %dma_wait3A_244] : memref<128x32xi32, #tpu.memory_space<hbm>> -> memref<1x32xi32, #tpu.memory_space<hbm>>
      %dma_wait3A_246 = tpu.memref_squeeze %dma_wait3A_245 : memref<1x32xi32, #tpu.memory_space<hbm>> -> memref<32xi32, #tpu.memory_space<hbm>>
      %dma_wait3A_247 = arith.constant 0 : i32
      %dma_wait3A_248 = tpu.memref_slice %arg5[%run_scoped3A, %dma_wait3A_247] : memref<3x32xi32, #tpu.memory_space<vmem>> -> memref<1x32xi32, #tpu.memory_space<vmem>>
      %dma_wait3A_249 = tpu.memref_squeeze %dma_wait3A_248 : memref<1x32xi32, #tpu.memory_space<vmem>> -> memref<32xi32, #tpu.memory_space<vmem>>
      %dma_wait3A_250 = arith.constant 0 : i32
      %dma_wait3A_251 = tpu.memref_slice %arg3[%add3A_47, %dma_wait3A_250] : memref<128x32xi32, #tpu.memory_space<hbm>> -> memref<1x32xi32, #tpu.memory_space<hbm>>
      %dma_wait3A_252 = tpu.memref_squeeze %dma_wait3A_251 : memref<1x32xi32, #tpu.memory_space<hbm>> -> memref<32xi32, #tpu.memory_space<hbm>>
      tpu.wait_dma2 semaphore(%run_scoped3A_228 : memref<!tpu.dma_semaphore, #tpu.memory_space<semaphore_mem>>) src(%dma_wait3A_252 : memref<32xi32, #tpu.memory_space<hbm>>) dst(%dma_wait3A_249 : memref<32xi32, #tpu.memory_space<vmem>>)
      tpu.yield
    }) : () -> ()
    %dma_start3A_48 = arith.constant 0 : i32
    %dma_start3A_49 = arith.constant 0 : i32
    %dma_start3A_50 = arith.constant 0 : i32
    %dma_start3A_51 = arith.constant 0 : i32
    %dma_start3A_52 = tpu.memref_slice %arg6[%dma_start3A_48, %dma_start3A_50, %dma_start3A_51] : memref<3x32x512xi32, #tpu.memory_space<vmem>> -> memref<1x32x512xi32, #tpu.memory_space<vmem>>
    %dma_start3A_53 = tpu.memref_squeeze %dma_start3A_52 : memref<1x32x512xi32, #tpu.memory_space<vmem>> -> memref<32x512xi32, #tpu.memory_space<vmem>>
    %dma_start3A_54 = arith.constant 0 : i32
    %dma_start3A_55 = tpu.memref_slice %arg5[%dma_start3A_49, %dma_start3A_54] : memref<3x32xi32, #tpu.memory_space<vmem>> -> memref<1x32xi32, #tpu.memory_space<vmem>>
    %dma_start3A_56 = tpu.memref_squeeze %dma_start3A_55 : memref<1x32xi32, #tpu.memory_space<vmem>> -> memref<32xi32, #tpu.memory_space<vmem>>
    %dma_start3A_57 = arith.constant 0 : i32
    %dma_start3A_58 = arith.constant 0 : i32
    %dma_start3A_59 = tpu.memref_slice %arg4[%dma_start3A_57, %dma_start3A_58] : memref<8320x512xi32, #tpu.memory_space<hbm>> -> memref<8320x512xi32, #tpu.memory_space<hbm>>
    tpu.enqueue_indirect_dma source(%dma_start3A_53 : memref<32x512xi32, #tpu.memory_space<vmem>>) target(%dma_start3A_59 : memref<8320x512xi32, #tpu.memory_space<hbm>>) offsets(%dma_start3A_56 : memref<32xi32, #tpu.memory_space<vmem>>) semaphore(%arg10 : memref<!tpu.dma_semaphore, #tpu.memory_space<semaphore_mem>>)
    %add3A_60 = arith.constant 64 : i32
    %add3A_61 = arith.addi %mul3A_2, %add3A_60 : i32
    %dma_start3A_62 = arith.constant 2 : i32
    %dma_start3A_63 = arith.constant 0 : i32
    %dma_start3A_64 = arith.constant 0 : i32
    %dma_start3A_65 = tpu.memref_slice %arg6[%dma_start3A_62, %dma_start3A_63, %dma_start3A_64] : memref<3x32x512xi32, #tpu.memory_space<vmem>> -> memref<1x32x512xi32, #tpu.memory_space<vmem>>
    %dma_start3A_66 = tpu.memref_squeeze %dma_start3A_65 : memref<1x32x512xi32, #tpu.memory_space<vmem>> -> memref<32x512xi32, #tpu.memory_space<vmem>>
    %dma_start3A_67 = arith.constant 0 : i32
    %dma_start3A_68 = tpu.memref_slice %arg2[%add3A_61, %dma_start3A_67] : memref<4096x512xi32, #tpu.memory_space<hbm>> -> memref<32x512xi32, #tpu.memory_space<hbm>>
    %dma_start3A_69 = arith.constant 0 : i32
    %dma_start3A_70 = arith.constant 0 : i32
    %dma_start3A_71 = tpu.memref_slice %arg6[%dma_start3A_62, %dma_start3A_69, %dma_start3A_70] : memref<3x32x512xi32, #tpu.memory_space<vmem>> -> memref<1x32x512xi32, #tpu.memory_space<vmem>>
    %dma_start3A_72 = tpu.memref_squeeze %dma_start3A_71 : memref<1x32x512xi32, #tpu.memory_space<vmem>> -> memref<32x512xi32, #tpu.memory_space<vmem>>
    %dma_start3A_73 = arith.constant 0 : i32
    %dma_start3A_74 = tpu.memref_slice %arg2[%add3A_61, %dma_start3A_73] : memref<4096x512xi32, #tpu.memory_space<hbm>> -> memref<32x512xi32, #tpu.memory_space<hbm>>
    tpu.enqueue_dma source(%dma_start3A_74 : memref<32x512xi32, #tpu.memory_space<hbm>>) target(%dma_start3A_72 : memref<32x512xi32, #tpu.memory_space<vmem>>) target_semaphore(%arg9 : memref<!tpu.dma_semaphore, #tpu.memory_space<semaphore_mem>>)
    %dma_wait3A_75 = arith.constant 1 : i32
    %dma_wait3A_76 = arith.constant 0 : i32
    %dma_wait3A_77 = arith.constant 0 : i32
    %dma_wait3A_78 = tpu.memref_slice %arg6[%dma_wait3A_75, %dma_wait3A_76, %dma_wait3A_77] : memref<3x32x512xi32, #tpu.memory_space<vmem>> -> memref<1x32x512xi32, #tpu.memory_space<vmem>>
    %dma_wait3A_79 = tpu.memref_squeeze %dma_wait3A_78 : memref<1x32x512xi32, #tpu.memory_space<vmem>> -> memref<32x512xi32, #tpu.memory_space<vmem>>
    %dma_wait3A_80 = arith.constant 0 : i32
    %dma_wait3A_81 = tpu.memref_slice %arg2[%add3A_18, %dma_wait3A_80] : memref<4096x512xi32, #tpu.memory_space<hbm>> -> memref<32x512xi32, #tpu.memory_space<hbm>>
    %dma_wait3A_82 = arith.constant 0 : i32
    %dma_wait3A_83 = arith.constant 0 : i32
    %dma_wait3A_84 = tpu.memref_slice %arg6[%dma_wait3A_75, %dma_wait3A_82, %dma_wait3A_83] : memref<3x32x512xi32, #tpu.memory_space<vmem>> -> memref<1x32x512xi32, #tpu.memory_space<vmem>>
    %dma_wait3A_85 = tpu.memref_squeeze %dma_wait3A_84 : memref<1x32x512xi32, #tpu.memory_space<vmem>> -> memref<32x512xi32, #tpu.memory_space<vmem>>
    %dma_wait3A_86 = arith.constant 0 : i32
    %dma_wait3A_87 = tpu.memref_slice %arg2[%add3A_18, %dma_wait3A_86] : memref<4096x512xi32, #tpu.memory_space<hbm>> -> memref<32x512xi32, #tpu.memory_space<hbm>>
    tpu.wait_dma2 semaphore(%arg8 : memref<!tpu.dma_semaphore, #tpu.memory_space<semaphore_mem>>) src(%dma_wait3A_87 : memref<32x512xi32, #tpu.memory_space<hbm>>) dst(%dma_wait3A_85 : memref<32x512xi32, #tpu.memory_space<vmem>>)
    %mul3A_88 = arith.constant 4 : i32
    %mul3A_89 = arith.muli %add3A, %mul3A_88 : i32
    %add3A_90 = arith.constant 1 : i32
    %add3A_91 = arith.addi %mul3A_89, %add3A_90 : i32
    %run_scoped3A_92 = arith.constant 1 : i32
    "tpu.region"() ({
      %run_scoped3A_228 = tpu.sem_alloc : memref<!tpu.dma_semaphore, #tpu.memory_space<semaphore_mem>>
      %dma_start3A_229 = arith.constant 0 : i32
      %dma_start3A_230 = tpu.memref_slice %arg5[%run_scoped3A_92, %dma_start3A_229] : memref<3x32xi32, #tpu.memory_space<vmem>> -> memref<1x32xi32, #tpu.memory_space<vmem>>
      %dma_start3A_231 = tpu.memref_squeeze %dma_start3A_230 : memref<1x32xi32, #tpu.memory_space<vmem>> -> memref<32xi32, #tpu.memory_space<vmem>>
      %dma_start3A_232 = arith.constant 0 : i32
      %dma_start3A_233 = tpu.memref_slice %arg3[%add3A_91, %dma_start3A_232] : memref<128x32xi32, #tpu.memory_space<hbm>> -> memref<1x32xi32, #tpu.memory_space<hbm>>
      %dma_start3A_234 = tpu.memref_squeeze %dma_start3A_233 : memref<1x32xi32, #tpu.memory_space<hbm>> -> memref<32xi32, #tpu.memory_space<hbm>>
      %dma_start3A_235 = arith.constant 0 : i32
      %dma_start3A_236 = tpu.memref_slice %arg5[%run_scoped3A_92, %dma_start3A_235] : memref<3x32xi32, #tpu.memory_space<vmem>> -> memref<1x32xi32, #tpu.memory_space<vmem>>
      %dma_start3A_237 = tpu.memref_squeeze %dma_start3A_236 : memref<1x32xi32, #tpu.memory_space<vmem>> -> memref<32xi32, #tpu.memory_space<vmem>>
      %dma_start3A_238 = arith.constant 0 : i32
      %dma_start3A_239 = tpu.memref_slice %arg3[%add3A_91, %dma_start3A_238] : memref<128x32xi32, #tpu.memory_space<hbm>> -> memref<1x32xi32, #tpu.memory_space<hbm>>
      %dma_start3A_240 = tpu.memref_squeeze %dma_start3A_239 : memref<1x32xi32, #tpu.memory_space<hbm>> -> memref<32xi32, #tpu.memory_space<hbm>>
      tpu.enqueue_dma source(%dma_start3A_240 : memref<32xi32, #tpu.memory_space<hbm>>) target(%dma_start3A_237 : memref<32xi32, #tpu.memory_space<vmem>>) target_semaphore(%run_scoped3A_228 : memref<!tpu.dma_semaphore, #tpu.memory_space<semaphore_mem>>)
      %dma_wait3A_241 = arith.constant 0 : i32
      %dma_wait3A_242 = tpu.memref_slice %arg5[%run_scoped3A_92, %dma_wait3A_241] : memref<3x32xi32, #tpu.memory_space<vmem>> -> memref<1x32xi32, #tpu.memory_space<vmem>>
      %dma_wait3A_243 = tpu.memref_squeeze %dma_wait3A_242 : memref<1x32xi32, #tpu.memory_space<vmem>> -> memref<32xi32, #tpu.memory_space<vmem>>
      %dma_wait3A_244 = arith.constant 0 : i32
      %dma_wait3A_245 = tpu.memref_slice %arg3[%add3A_91, %dma_wait3A_244] : memref<128x32xi32, #tpu.memory_space<hbm>> -> memref<1x32xi32, #tpu.memory_space<hbm>>
      %dma_wait3A_246 = tpu.memref_squeeze %dma_wait3A_245 : memref<1x32xi32, #tpu.memory_space<hbm>> -> memref<32xi32, #tpu.memory_space<hbm>>
      %dma_wait3A_247 = arith.constant 0 : i32
      %dma_wait3A_248 = tpu.memref_slice %arg5[%run_scoped3A_92, %dma_wait3A_247] : memref<3x32xi32, #tpu.memory_space<vmem>> -> memref<1x32xi32, #tpu.memory_space<vmem>>
      %dma_wait3A_249 = tpu.memref_squeeze %dma_wait3A_248 : memref<1x32xi32, #tpu.memory_space<vmem>> -> memref<32xi32, #tpu.memory_space<vmem>>
      %dma_wait3A_250 = arith.constant 0 : i32
      %dma_wait3A_251 = tpu.memref_slice %arg3[%add3A_91, %dma_wait3A_250] : memref<128x32xi32, #tpu.memory_space<hbm>> -> memref<1x32xi32, #tpu.memory_space<hbm>>
      %dma_wait3A_252 = tpu.memref_squeeze %dma_wait3A_251 : memref<1x32xi32, #tpu.memory_space<hbm>> -> memref<32xi32, #tpu.memory_space<hbm>>
      tpu.wait_dma2 semaphore(%run_scoped3A_228 : memref<!tpu.dma_semaphore, #tpu.memory_space<semaphore_mem>>) src(%dma_wait3A_252 : memref<32xi32, #tpu.memory_space<hbm>>) dst(%dma_wait3A_249 : memref<32xi32, #tpu.memory_space<vmem>>)
      tpu.yield
    }) : () -> ()
    %dma_start3A_93 = arith.constant 1 : i32
    %dma_start3A_94 = arith.constant 1 : i32
    %dma_start3A_95 = arith.constant 0 : i32
    %dma_start3A_96 = arith.constant 0 : i32
    %dma_start3A_97 = tpu.memref_slice %arg6[%dma_start3A_93, %dma_start3A_95, %dma_start3A_96] : memref<3x32x512xi32, #tpu.memory_space<vmem>> -> memref<1x32x512xi32, #tpu.memory_space<vmem>>
    %dma_start3A_98 = tpu.memref_squeeze %dma_start3A_97 : memref<1x32x512xi32, #tpu.memory_space<vmem>> -> memref<32x512xi32, #tpu.memory_space<vmem>>
    %dma_start3A_99 = arith.constant 0 : i32
    %dma_start3A_100 = tpu.memref_slice %arg5[%dma_start3A_94, %dma_start3A_99] : memref<3x32xi32, #tpu.memory_space<vmem>> -> memref<1x32xi32, #tpu.memory_space<vmem>>
    %dma_start3A_101 = tpu.memref_squeeze %dma_start3A_100 : memref<1x32xi32, #tpu.memory_space<vmem>> -> memref<32xi32, #tpu.memory_space<vmem>>
    %dma_start3A_102 = arith.constant 0 : i32
    %dma_start3A_103 = arith.constant 0 : i32
    %dma_start3A_104 = tpu.memref_slice %arg4[%dma_start3A_102, %dma_start3A_103] : memref<8320x512xi32, #tpu.memory_space<hbm>> -> memref<8320x512xi32, #tpu.memory_space<hbm>>
    tpu.enqueue_indirect_dma source(%dma_start3A_98 : memref<32x512xi32, #tpu.memory_space<vmem>>) target(%dma_start3A_104 : memref<8320x512xi32, #tpu.memory_space<hbm>>) offsets(%dma_start3A_101 : memref<32xi32, #tpu.memory_space<vmem>>) semaphore(%arg11 : memref<!tpu.dma_semaphore, #tpu.memory_space<semaphore_mem>>)
    %dma_wait3A_105 = arith.constant 0 : i32
    %dma_wait3A_106 = arith.constant 0 : i32
    %dma_wait3A_107 = arith.constant 0 : i32
    %dma_wait3A_108 = arith.constant 0 : i32
    %dma_wait3A_109 = tpu.memref_slice %arg6[%dma_wait3A_105, %dma_wait3A_107, %dma_wait3A_108] : memref<3x32x512xi32, #tpu.memory_space<vmem>> -> memref<1x32x512xi32, #tpu.memory_space<vmem>>
    %dma_wait3A_110 = tpu.memref_squeeze %dma_wait3A_109 : memref<1x32x512xi32, #tpu.memory_space<vmem>> -> memref<32x512xi32, #tpu.memory_space<vmem>>
    %dma_wait3A_111 = arith.constant 0 : i32
    %dma_wait3A_112 = tpu.memref_slice %arg5[%dma_wait3A_106, %dma_wait3A_111] : memref<3x32xi32, #tpu.memory_space<vmem>> -> memref<1x32xi32, #tpu.memory_space<vmem>>
    %dma_wait3A_113 = tpu.memref_squeeze %dma_wait3A_112 : memref<1x32xi32, #tpu.memory_space<vmem>> -> memref<32xi32, #tpu.memory_space<vmem>>
    %dma_wait3A_114 = arith.constant 0 : i32
    %dma_wait3A_115 = arith.constant 0 : i32
    %dma_wait3A_116 = tpu.memref_slice %arg4[%dma_wait3A_114, %dma_wait3A_115] : memref<8320x512xi32, #tpu.memory_space<hbm>> -> memref<8320x512xi32, #tpu.memory_space<hbm>>
    tpu.wait_indirect_dma semaphore(%arg10 : memref<!tpu.dma_semaphore, #tpu.memory_space<semaphore_mem>>) src(%dma_wait3A_110 : memref<32x512xi32, #tpu.memory_space<vmem>>) dst(%dma_wait3A_116 : memref<8320x512xi32, #tpu.memory_space<hbm>>)
    %add3A_117 = arith.constant 96 : i32
    %add3A_118 = arith.addi %mul3A_2, %add3A_117 : i32
    %dma_start3A_119 = arith.constant 0 : i32
    %dma_start3A_120 = arith.constant 0 : i32
    %dma_start3A_121 = arith.constant 0 : i32
    %dma_start3A_122 = tpu.memref_slice %arg6[%dma_start3A_119, %dma_start3A_120, %dma_start3A_121] : memref<3x32x512xi32, #tpu.memory_space<vmem>> -> memref<1x32x512xi32, #tpu.memory_space<vmem>>
    %dma_start3A_123 = tpu.memref_squeeze %dma_start3A_122 : memref<1x32x512xi32, #tpu.memory_space<vmem>> -> memref<32x512xi32, #tpu.memory_space<vmem>>
    %dma_start3A_124 = arith.constant 0 : i32
    %dma_start3A_125 = tpu.memref_slice %arg2[%add3A_118, %dma_start3A_124] : memref<4096x512xi32, #tpu.memory_space<hbm>> -> memref<32x512xi32, #tpu.memory_space<hbm>>
    %dma_start3A_126 = arith.constant 0 : i32
    %dma_start3A_127 = arith.constant 0 : i32
    %dma_start3A_128 = tpu.memref_slice %arg6[%dma_start3A_119, %dma_start3A_126, %dma_start3A_127] : memref<3x32x512xi32, #tpu.memory_space<vmem>> -> memref<1x32x512xi32, #tpu.memory_space<vmem>>
    %dma_start3A_129 = tpu.memref_squeeze %dma_start3A_128 : memref<1x32x512xi32, #tpu.memory_space<vmem>> -> memref<32x512xi32, #tpu.memory_space<vmem>>
    %dma_start3A_130 = arith.constant 0 : i32
    %dma_start3A_131 = tpu.memref_slice %arg2[%add3A_118, %dma_start3A_130] : memref<4096x512xi32, #tpu.memory_space<hbm>> -> memref<32x512xi32, #tpu.memory_space<hbm>>
    tpu.enqueue_dma source(%dma_start3A_131 : memref<32x512xi32, #tpu.memory_space<hbm>>) target(%dma_start3A_129 : memref<32x512xi32, #tpu.memory_space<vmem>>) target_semaphore(%arg7 : memref<!tpu.dma_semaphore, #tpu.memory_space<semaphore_mem>>)
    %dma_wait3A_132 = arith.constant 2 : i32
    %dma_wait3A_133 = arith.constant 0 : i32
    %dma_wait3A_134 = arith.constant 0 : i32
    %dma_wait3A_135 = tpu.memref_slice %arg6[%dma_wait3A_132, %dma_wait3A_133, %dma_wait3A_134] : memref<3x32x512xi32, #tpu.memory_space<vmem>> -> memref<1x32x512xi32, #tpu.memory_space<vmem>>
    %dma_wait3A_136 = tpu.memref_squeeze %dma_wait3A_135 : memref<1x32x512xi32, #tpu.memory_space<vmem>> -> memref<32x512xi32, #tpu.memory_space<vmem>>
    %dma_wait3A_137 = arith.constant 0 : i32
    %dma_wait3A_138 = tpu.memref_slice %arg2[%add3A_61, %dma_wait3A_137] : memref<4096x512xi32, #tpu.memory_space<hbm>> -> memref<32x512xi32, #tpu.memory_space<hbm>>
    %dma_wait3A_139 = arith.constant 0 : i32
    %dma_wait3A_140 = arith.constant 0 : i32
    %dma_wait3A_141 = tpu.memref_slice %arg6[%dma_wait3A_132, %dma_wait3A_139, %dma_wait3A_140] : memref<3x32x512xi32, #tpu.memory_space<vmem>> -> memref<1x32x512xi32, #tpu.memory_space<vmem>>
    %dma_wait3A_142 = tpu.memref_squeeze %dma_wait3A_141 : memref<1x32x512xi32, #tpu.memory_space<vmem>> -> memref<32x512xi32, #tpu.memory_space<vmem>>
    %dma_wait3A_143 = arith.constant 0 : i32
    %dma_wait3A_144 = tpu.memref_slice %arg2[%add3A_61, %dma_wait3A_143] : memref<4096x512xi32, #tpu.memory_space<hbm>> -> memref<32x512xi32, #tpu.memory_space<hbm>>
    tpu.wait_dma2 semaphore(%arg9 : memref<!tpu.dma_semaphore, #tpu.memory_space<semaphore_mem>>) src(%dma_wait3A_144 : memref<32x512xi32, #tpu.memory_space<hbm>>) dst(%dma_wait3A_142 : memref<32x512xi32, #tpu.memory_space<vmem>>)
    %mul3A_145 = arith.constant 4 : i32
    %mul3A_146 = arith.muli %add3A, %mul3A_145 : i32
    %add3A_147 = arith.constant 2 : i32
    %add3A_148 = arith.addi %mul3A_146, %add3A_147 : i32
    %run_scoped3A_149 = arith.constant 2 : i32
    "tpu.region"() ({
      %run_scoped3A_228 = tpu.sem_alloc : memref<!tpu.dma_semaphore, #tpu.memory_space<semaphore_mem>>
      %dma_start3A_229 = arith.constant 0 : i32
      %dma_start3A_230 = tpu.memref_slice %arg5[%run_scoped3A_149, %dma_start3A_229] : memref<3x32xi32, #tpu.memory_space<vmem>> -> memref<1x32xi32, #tpu.memory_space<vmem>>
      %dma_start3A_231 = tpu.memref_squeeze %dma_start3A_230 : memref<1x32xi32, #tpu.memory_space<vmem>> -> memref<32xi32, #tpu.memory_space<vmem>>
      %dma_start3A_232 = arith.constant 0 : i32
      %dma_start3A_233 = tpu.memref_slice %arg3[%add3A_148, %dma_start3A_232] : memref<128x32xi32, #tpu.memory_space<hbm>> -> memref<1x32xi32, #tpu.memory_space<hbm>>
      %dma_start3A_234 = tpu.memref_squeeze %dma_start3A_233 : memref<1x32xi32, #tpu.memory_space<hbm>> -> memref<32xi32, #tpu.memory_space<hbm>>
      %dma_start3A_235 = arith.constant 0 : i32
      %dma_start3A_236 = tpu.memref_slice %arg5[%run_scoped3A_149, %dma_start3A_235] : memref<3x32xi32, #tpu.memory_space<vmem>> -> memref<1x32xi32, #tpu.memory_space<vmem>>
      %dma_start3A_237 = tpu.memref_squeeze %dma_start3A_236 : memref<1x32xi32, #tpu.memory_space<vmem>> -> memref<32xi32, #tpu.memory_space<vmem>>
      %dma_start3A_238 = arith.constant 0 : i32
      %dma_start3A_239 = tpu.memref_slice %arg3[%add3A_148, %dma_start3A_238] : memref<128x32xi32, #tpu.memory_space<hbm>> -> memref<1x32xi32, #tpu.memory_space<hbm>>
      %dma_start3A_240 = tpu.memref_squeeze %dma_start3A_239 : memref<1x32xi32, #tpu.memory_space<hbm>> -> memref<32xi32, #tpu.memory_space<hbm>>
      tpu.enqueue_dma source(%dma_start3A_240 : memref<32xi32, #tpu.memory_space<hbm>>) target(%dma_start3A_237 : memref<32xi32, #tpu.memory_space<vmem>>) target_semaphore(%run_scoped3A_228 : memref<!tpu.dma_semaphore, #tpu.memory_space<semaphore_mem>>)
      %dma_wait3A_241 = arith.constant 0 : i32
      %dma_wait3A_242 = tpu.memref_slice %arg5[%run_scoped3A_149, %dma_wait3A_241] : memref<3x32xi32, #tpu.memory_space<vmem>> -> memref<1x32xi32, #tpu.memory_space<vmem>>
      %dma_wait3A_243 = tpu.memref_squeeze %dma_wait3A_242 : memref<1x32xi32, #tpu.memory_space<vmem>> -> memref<32xi32, #tpu.memory_space<vmem>>
      %dma_wait3A_244 = arith.constant 0 : i32
      %dma_wait3A_245 = tpu.memref_slice %arg3[%add3A_148, %dma_wait3A_244] : memref<128x32xi32, #tpu.memory_space<hbm>> -> memref<1x32xi32, #tpu.memory_space<hbm>>
      %dma_wait3A_246 = tpu.memref_squeeze %dma_wait3A_245 : memref<1x32xi32, #tpu.memory_space<hbm>> -> memref<32xi32, #tpu.memory_space<hbm>>
      %dma_wait3A_247 = arith.constant 0 : i32
      %dma_wait3A_248 = tpu.memref_slice %arg5[%run_scoped3A_149, %dma_wait3A_247] : memref<3x32xi32, #tpu.memory_space<vmem>> -> memref<1x32xi32, #tpu.memory_space<vmem>>
      %dma_wait3A_249 = tpu.memref_squeeze %dma_wait3A_248 : memref<1x32xi32, #tpu.memory_space<vmem>> -> memref<32xi32, #tpu.memory_space<vmem>>
      %dma_wait3A_250 = arith.constant 0 : i32
      %dma_wait3A_251 = tpu.memref_slice %arg3[%add3A_148, %dma_wait3A_250] : memref<128x32xi32, #tpu.memory_space<hbm>> -> memref<1x32xi32, #tpu.memory_space<hbm>>
      %dma_wait3A_252 = tpu.memref_squeeze %dma_wait3A_251 : memref<1x32xi32, #tpu.memory_space<hbm>> -> memref<32xi32, #tpu.memory_space<hbm>>
      tpu.wait_dma2 semaphore(%run_scoped3A_228 : memref<!tpu.dma_semaphore, #tpu.memory_space<semaphore_mem>>) src(%dma_wait3A_252 : memref<32xi32, #tpu.memory_space<hbm>>) dst(%dma_wait3A_249 : memref<32xi32, #tpu.memory_space<vmem>>)
      tpu.yield
    }) : () -> ()
    %dma_start3A_150 = arith.constant 2 : i32
    %dma_start3A_151 = arith.constant 2 : i32
    %dma_start3A_152 = arith.constant 0 : i32
    %dma_start3A_153 = arith.constant 0 : i32
    %dma_start3A_154 = tpu.memref_slice %arg6[%dma_start3A_150, %dma_start3A_152, %dma_start3A_153] : memref<3x32x512xi32, #tpu.memory_space<vmem>> -> memref<1x32x512xi32, #tpu.memory_space<vmem>>
    %dma_start3A_155 = tpu.memref_squeeze %dma_start3A_154 : memref<1x32x512xi32, #tpu.memory_space<vmem>> -> memref<32x512xi32, #tpu.memory_space<vmem>>
    %dma_start3A_156 = arith.constant 0 : i32
    %dma_start3A_157 = tpu.memref_slice %arg5[%dma_start3A_151, %dma_start3A_156] : memref<3x32xi32, #tpu.memory_space<vmem>> -> memref<1x32xi32, #tpu.memory_space<vmem>>
    %dma_start3A_158 = tpu.memref_squeeze %dma_start3A_157 : memref<1x32xi32, #tpu.memory_space<vmem>> -> memref<32xi32, #tpu.memory_space<vmem>>
    %dma_start3A_159 = arith.constant 0 : i32
    %dma_start3A_160 = arith.constant 0 : i32
    %dma_start3A_161 = tpu.memref_slice %arg4[%dma_start3A_159, %dma_start3A_160] : memref<8320x512xi32, #tpu.memory_space<hbm>> -> memref<8320x512xi32, #tpu.memory_space<hbm>>
    tpu.enqueue_indirect_dma source(%dma_start3A_155 : memref<32x512xi32, #tpu.memory_space<vmem>>) target(%dma_start3A_161 : memref<8320x512xi32, #tpu.memory_space<hbm>>) offsets(%dma_start3A_158 : memref<32xi32, #tpu.memory_space<vmem>>) semaphore(%arg12 : memref<!tpu.dma_semaphore, #tpu.memory_space<semaphore_mem>>)
    %dma_wait3A_162 = arith.constant 0 : i32
    %dma_wait3A_163 = arith.constant 0 : i32
    %dma_wait3A_164 = arith.constant 0 : i32
    %dma_wait3A_165 = tpu.memref_slice %arg6[%dma_wait3A_162, %dma_wait3A_163, %dma_wait3A_164] : memref<3x32x512xi32, #tpu.memory_space<vmem>> -> memref<1x32x512xi32, #tpu.memory_space<vmem>>
    %dma_wait3A_166 = tpu.memref_squeeze %dma_wait3A_165 : memref<1x32x512xi32, #tpu.memory_space<vmem>> -> memref<32x512xi32, #tpu.memory_space<vmem>>
    %dma_wait3A_167 = arith.constant 0 : i32
    %dma_wait3A_168 = tpu.memref_slice %arg2[%add3A_118, %dma_wait3A_167] : memref<4096x512xi32, #tpu.memory_space<hbm>> -> memref<32x512xi32, #tpu.memory_space<hbm>>
    %dma_wait3A_169 = arith.constant 0 : i32
    %dma_wait3A_170 = arith.constant 0 : i32
    %dma_wait3A_171 = tpu.memref_slice %arg6[%dma_wait3A_162, %dma_wait3A_169, %dma_wait3A_170] : memref<3x32x512xi32, #tpu.memory_space<vmem>> -> memref<1x32x512xi32, #tpu.memory_space<vmem>>
    %dma_wait3A_172 = tpu.memref_squeeze %dma_wait3A_171 : memref<1x32x512xi32, #tpu.memory_space<vmem>> -> memref<32x512xi32, #tpu.memory_space<vmem>>
    %dma_wait3A_173 = arith.constant 0 : i32
    %dma_wait3A_174 = tpu.memref_slice %arg2[%add3A_118, %dma_wait3A_173] : memref<4096x512xi32, #tpu.memory_space<hbm>> -> memref<32x512xi32, #tpu.memory_space<hbm>>
    tpu.wait_dma2 semaphore(%arg7 : memref<!tpu.dma_semaphore, #tpu.memory_space<semaphore_mem>>) src(%dma_wait3A_174 : memref<32x512xi32, #tpu.memory_space<hbm>>) dst(%dma_wait3A_172 : memref<32x512xi32, #tpu.memory_space<vmem>>)
    %mul3A_175 = arith.constant 4 : i32
    %mul3A_176 = arith.muli %add3A, %mul3A_175 : i32
    %add3A_177 = arith.constant 3 : i32
    %add3A_178 = arith.addi %mul3A_176, %add3A_177 : i32
    %run_scoped3A_179 = arith.constant 0 : i32
    "tpu.region"() ({
      %run_scoped3A_228 = tpu.sem_alloc : memref<!tpu.dma_semaphore, #tpu.memory_space<semaphore_mem>>
      %dma_start3A_229 = arith.constant 0 : i32
      %dma_start3A_230 = tpu.memref_slice %arg5[%run_scoped3A_179, %dma_start3A_229] : memref<3x32xi32, #tpu.memory_space<vmem>> -> memref<1x32xi32, #tpu.memory_space<vmem>>
      %dma_start3A_231 = tpu.memref_squeeze %dma_start3A_230 : memref<1x32xi32, #tpu.memory_space<vmem>> -> memref<32xi32, #tpu.memory_space<vmem>>
      %dma_start3A_232 = arith.constant 0 : i32
      %dma_start3A_233 = tpu.memref_slice %arg3[%add3A_178, %dma_start3A_232] : memref<128x32xi32, #tpu.memory_space<hbm>> -> memref<1x32xi32, #tpu.memory_space<hbm>>
      %dma_start3A_234 = tpu.memref_squeeze %dma_start3A_233 : memref<1x32xi32, #tpu.memory_space<hbm>> -> memref<32xi32, #tpu.memory_space<hbm>>
      %dma_start3A_235 = arith.constant 0 : i32
      %dma_start3A_236 = tpu.memref_slice %arg5[%run_scoped3A_179, %dma_start3A_235] : memref<3x32xi32, #tpu.memory_space<vmem>> -> memref<1x32xi32, #tpu.memory_space<vmem>>
      %dma_start3A_237 = tpu.memref_squeeze %dma_start3A_236 : memref<1x32xi32, #tpu.memory_space<vmem>> -> memref<32xi32, #tpu.memory_space<vmem>>
      %dma_start3A_238 = arith.constant 0 : i32
      %dma_start3A_239 = tpu.memref_slice %arg3[%add3A_178, %dma_start3A_238] : memref<128x32xi32, #tpu.memory_space<hbm>> -> memref<1x32xi32, #tpu.memory_space<hbm>>
      %dma_start3A_240 = tpu.memref_squeeze %dma_start3A_239 : memref<1x32xi32, #tpu.memory_space<hbm>> -> memref<32xi32, #tpu.memory_space<hbm>>
      tpu.enqueue_dma source(%dma_start3A_240 : memref<32xi32, #tpu.memory_space<hbm>>) target(%dma_start3A_237 : memref<32xi32, #tpu.memory_space<vmem>>) target_semaphore(%run_scoped3A_228 : memref<!tpu.dma_semaphore, #tpu.memory_space<semaphore_mem>>)
      %dma_wait3A_241 = arith.constant 0 : i32
      %dma_wait3A_242 = tpu.memref_slice %arg5[%run_scoped3A_179, %dma_wait3A_241] : memref<3x32xi32, #tpu.memory_space<vmem>> -> memref<1x32xi32, #tpu.memory_space<vmem>>
      %dma_wait3A_243 = tpu.memref_squeeze %dma_wait3A_242 : memref<1x32xi32, #tpu.memory_space<vmem>> -> memref<32xi32, #tpu.memory_space<vmem>>
      %dma_wait3A_244 = arith.constant 0 : i32
      %dma_wait3A_245 = tpu.memref_slice %arg3[%add3A_178, %dma_wait3A_244] : memref<128x32xi32, #tpu.memory_space<hbm>> -> memref<1x32xi32, #tpu.memory_space<hbm>>
      %dma_wait3A_246 = tpu.memref_squeeze %dma_wait3A_245 : memref<1x32xi32, #tpu.memory_space<hbm>> -> memref<32xi32, #tpu.memory_space<hbm>>
      %dma_wait3A_247 = arith.constant 0 : i32
      %dma_wait3A_248 = tpu.memref_slice %arg5[%run_scoped3A_179, %dma_wait3A_247] : memref<3x32xi32, #tpu.memory_space<vmem>> -> memref<1x32xi32, #tpu.memory_space<vmem>>
      %dma_wait3A_249 = tpu.memref_squeeze %dma_wait3A_248 : memref<1x32xi32, #tpu.memory_space<vmem>> -> memref<32xi32, #tpu.memory_space<vmem>>
      %dma_wait3A_250 = arith.constant 0 : i32
      %dma_wait3A_251 = tpu.memref_slice %arg3[%add3A_178, %dma_wait3A_250] : memref<128x32xi32, #tpu.memory_space<hbm>> -> memref<1x32xi32, #tpu.memory_space<hbm>>
      %dma_wait3A_252 = tpu.memref_squeeze %dma_wait3A_251 : memref<1x32xi32, #tpu.memory_space<hbm>> -> memref<32xi32, #tpu.memory_space<hbm>>
      tpu.wait_dma2 semaphore(%run_scoped3A_228 : memref<!tpu.dma_semaphore, #tpu.memory_space<semaphore_mem>>) src(%dma_wait3A_252 : memref<32xi32, #tpu.memory_space<hbm>>) dst(%dma_wait3A_249 : memref<32xi32, #tpu.memory_space<vmem>>)
      tpu.yield
    }) : () -> ()
    %dma_start3A_180 = arith.constant 0 : i32
    %dma_start3A_181 = arith.constant 0 : i32
    %dma_start3A_182 = arith.constant 0 : i32
    %dma_start3A_183 = arith.constant 0 : i32
    %dma_start3A_184 = tpu.memref_slice %arg6[%dma_start3A_180, %dma_start3A_182, %dma_start3A_183] : memref<3x32x512xi32, #tpu.memory_space<vmem>> -> memref<1x32x512xi32, #tpu.memory_space<vmem>>
    %dma_start3A_185 = tpu.memref_squeeze %dma_start3A_184 : memref<1x32x512xi32, #tpu.memory_space<vmem>> -> memref<32x512xi32, #tpu.memory_space<vmem>>
    %dma_start3A_186 = arith.constant 0 : i32
    %dma_start3A_187 = tpu.memref_slice %arg5[%dma_start3A_181, %dma_start3A_186] : memref<3x32xi32, #tpu.memory_space<vmem>> -> memref<1x32xi32, #tpu.memory_space<vmem>>
    %dma_start3A_188 = tpu.memref_squeeze %dma_start3A_187 : memref<1x32xi32, #tpu.memory_space<vmem>> -> memref<32xi32, #tpu.memory_space<vmem>>
    %dma_start3A_189 = arith.constant 0 : i32
    %dma_start3A_190 = arith.constant 0 : i32
    %dma_start3A_191 = tpu.memref_slice %arg4[%dma_start3A_189, %dma_start3A_190] : memref<8320x512xi32, #tpu.memory_space<hbm>> -> memref<8320x512xi32, #tpu.memory_space<hbm>>
    tpu.enqueue_indirect_dma source(%dma_start3A_185 : memref<32x512xi32, #tpu.memory_space<vmem>>) target(%dma_start3A_191 : memref<8320x512xi32, #tpu.memory_space<hbm>>) offsets(%dma_start3A_188 : memref<32xi32, #tpu.memory_space<vmem>>) semaphore(%arg10 : memref<!tpu.dma_semaphore, #tpu.memory_space<semaphore_mem>>)
    %dma_wait3A_192 = arith.constant 1 : i32
    %dma_wait3A_193 = arith.constant 1 : i32
    %dma_wait3A_194 = arith.constant 0 : i32
    %dma_wait3A_195 = arith.constant 0 : i32
    %dma_wait3A_196 = tpu.memref_slice %arg6[%dma_wait3A_192, %dma_wait3A_194, %dma_wait3A_195] : memref<3x32x512xi32, #tpu.memory_space<vmem>> -> memref<1x32x512xi32, #tpu.memory_space<vmem>>
    %dma_wait3A_197 = tpu.memref_squeeze %dma_wait3A_196 : memref<1x32x512xi32, #tpu.memory_space<vmem>> -> memref<32x512xi32, #tpu.memory_space<vmem>>
    %dma_wait3A_198 = arith.constant 0 : i32
    %dma_wait3A_199 = tpu.memref_slice %arg5[%dma_wait3A_193, %dma_wait3A_198] : memref<3x32xi32, #tpu.memory_space<vmem>> -> memref<1x32xi32, #tpu.memory_space<vmem>>
    %dma_wait3A_200 = tpu.memref_squeeze %dma_wait3A_199 : memref<1x32xi32, #tpu.memory_space<vmem>> -> memref<32xi32, #tpu.memory_space<vmem>>
    %dma_wait3A_201 = arith.constant 0 : i32
    %dma_wait3A_202 = arith.constant 0 : i32
    %dma_wait3A_203 = tpu.memref_slice %arg4[%dma_wait3A_201, %dma_wait3A_202] : memref<8320x512xi32, #tpu.memory_space<hbm>> -> memref<8320x512xi32, #tpu.memory_space<hbm>>
    tpu.wait_indirect_dma semaphore(%arg11 : memref<!tpu.dma_semaphore, #tpu.memory_space<semaphore_mem>>) src(%dma_wait3A_197 : memref<32x512xi32, #tpu.memory_space<vmem>>) dst(%dma_wait3A_203 : memref<8320x512xi32, #tpu.memory_space<hbm>>)
    %dma_wait3A_204 = arith.constant 2 : i32
    %dma_wait3A_205 = arith.constant 2 : i32
    %dma_wait3A_206 = arith.constant 0 : i32
    %dma_wait3A_207 = arith.constant 0 : i32
    %dma_wait3A_208 = tpu.memref_slice %arg6[%dma_wait3A_204, %dma_wait3A_206, %dma_wait3A_207] : memref<3x32x512xi32, #tpu.memory_space<vmem>> -> memref<1x32x512xi32, #tpu.memory_space<vmem>>
    %dma_wait3A_209 = tpu.memref_squeeze %dma_wait3A_208 : memref<1x32x512xi32, #tpu.memory_space<vmem>> -> memref<32x512xi32, #tpu.memory_space<vmem>>
    %dma_wait3A_210 = arith.constant 0 : i32
    %dma_wait3A_211 = tpu.memref_slice %arg5[%dma_wait3A_205, %dma_wait3A_210] : memref<3x32xi32, #tpu.memory_space<vmem>> -> memref<1x32xi32, #tpu.memory_space<vmem>>
    %dma_wait3A_212 = tpu.memref_squeeze %dma_wait3A_211 : memref<1x32xi32, #tpu.memory_space<vmem>> -> memref<32xi32, #tpu.memory_space<vmem>>
    %dma_wait3A_213 = arith.constant 0 : i32
    %dma_wait3A_214 = arith.constant 0 : i32
    %dma_wait3A_215 = tpu.memref_slice %arg4[%dma_wait3A_213, %dma_wait3A_214] : memref<8320x512xi32, #tpu.memory_space<hbm>> -> memref<8320x512xi32, #tpu.memory_space<hbm>>
    tpu.wait_indirect_dma semaphore(%arg12 : memref<!tpu.dma_semaphore, #tpu.memory_space<semaphore_mem>>) src(%dma_wait3A_209 : memref<32x512xi32, #tpu.memory_space<vmem>>) dst(%dma_wait3A_215 : memref<8320x512xi32, #tpu.memory_space<hbm>>)
    %dma_wait3A_216 = arith.constant 0 : i32
    %dma_wait3A_217 = arith.constant 0 : i32
    %dma_wait3A_218 = arith.constant 0 : i32
    %dma_wait3A_219 = arith.constant 0 : i32
    %dma_wait3A_220 = tpu.memref_slice %arg6[%dma_wait3A_216, %dma_wait3A_218, %dma_wait3A_219] : memref<3x32x512xi32, #tpu.memory_space<vmem>> -> memref<1x32x512xi32, #tpu.memory_space<vmem>>
    %dma_wait3A_221 = tpu.memref_squeeze %dma_wait3A_220 : memref<1x32x512xi32, #tpu.memory_space<vmem>> -> memref<32x512xi32, #tpu.memory_space<vmem>>
    %dma_wait3A_222 = arith.constant 0 : i32
    %dma_wait3A_223 = tpu.memref_slice %arg5[%dma_wait3A_217, %dma_wait3A_222] : memref<3x32xi32, #tpu.memory_space<vmem>> -> memref<1x32xi32, #tpu.memory_space<vmem>>
    %dma_wait3A_224 = tpu.memref_squeeze %dma_wait3A_223 : memref<1x32xi32, #tpu.memory_space<vmem>> -> memref<32xi32, #tpu.memory_space<vmem>>
    %dma_wait3A_225 = arith.constant 0 : i32
    %dma_wait3A_226 = arith.constant 0 : i32
    %dma_wait3A_227 = tpu.memref_slice %arg4[%dma_wait3A_225, %dma_wait3A_226] : memref<8320x512xi32, #tpu.memory_space<hbm>> -> memref<8320x512xi32, #tpu.memory_space<hbm>>
    tpu.wait_indirect_dma semaphore(%arg10 : memref<!tpu.dma_semaphore, #tpu.memory_space<semaphore_mem>>) src(%dma_wait3A_221 : memref<32x512xi32, #tpu.memory_space<vmem>>) dst(%dma_wait3A_227 : memref<8320x512xi32, #tpu.memory_space<hbm>>)
    return
  }
}

module attributes {stable_mosaic.version = 14 : i64} {
  func.func @_route_body(%arg0: i32, %arg1: memref<256x1024xf32, #tpu.memory_space<vmem>>, %arg2: memref<1024x64xf32, #tpu.memory_space<vmem>>, %arg3: memref<256x512xi32, #tpu.memory_space<vmem>>, %arg4: memref<256x1xi32, #tpu.memory_space<vmem>>, %arg5: memref<256x1xi32, #tpu.memory_space<vmem>>, %arg6: memref<256x1xf32, #tpu.memory_space<vmem>>, %arg7: memref<8x128xf32, #tpu.memory_space<vmem>>, %arg8: memref<8x64xf32, #tpu.memory_space<vmem>>) attributes {dimension_semantics = [#tpu.dimension_semantics<arbitrary>], iteration_bounds = array<i64: 16>, scalar_prefetch = 0 : i64, scratch_operands = 1 : i64, tpu.core_type = #tpu.core_type<tc>, window_params = [{transform_indices = @transform_0, window_bounds = array<i64: 256, 1024>}, {pipeline_mode = #tpu.pipeline_mode<synchronous>, transform_indices = @transform_1, window_bounds = array<i64: 1024, 64>}, {transform_indices = @transform_2, window_bounds = array<i64: 256, 512>}, {transform_indices = @transform_3, window_bounds = array<i64: 256, 1>}, {transform_indices = @transform_4, window_bounds = array<i64: 256, 1>}, {transform_indices = @transform_5, window_bounds = array<i64: 256, 1>}, {pipeline_mode = #tpu.pipeline_mode<synchronous>, transform_indices = @transform_6, window_bounds = array<i64: 8, 128>}]} {
    %eq3A = arith.constant 0 : i32
    %eq3A_0 = arith.cmpi eq, %arg0, %eq3A : i32
    %convert_element_type3A = arith.extui %eq3A_0 : i1 to i32
    %cond3A = arith.constant 0 : i32
    %cond3A_1 = arith.cmpi ne, %convert_element_type3A, %cond3A : i32
    scf.if %cond3A_1 {
      %broadcast_in_dim3A_145 = arith.constant 0.000000e+00 : f32
      %broadcast_in_dim3A_146 = vector.broadcast %broadcast_in_dim3A_145 : f32 to vector<8x64xf32>
      %swap3A_147 = arith.constant 0 : index
      %swap3A_148 = arith.constant 0 : index
      %swap3A_149 = vector.load %arg8[%swap3A_147, %swap3A_148] : memref<8x64xf32, #tpu.memory_space<vmem>>, vector<8x64xf32>
      tpu.vector_store %arg8[%swap3A_147, %swap3A_148], %broadcast_in_dim3A_146 {strides = array<i32>} : memref<8x64xf32, #tpu.memory_space<vmem>>, vector<8x64xf32>,
    } else {
    }
    %get3A = arith.constant 0 : index
    %get3A_2 = arith.constant 0 : index
    %get3A_3 = vector.load %arg1[%get3A, %get3A_2] : memref<256x1024xf32, #tpu.memory_space<vmem>>, vector<256x1024xf32>
    %get3A_4 = arith.constant 0 : index
    %get3A_5 = arith.constant 0 : index
    %get3A_6 = vector.load %arg2[%get3A_4, %get3A_5] : memref<1024x64xf32, #tpu.memory_space<vmem>>, vector<1024x64xf32>
    %dot_general3A = arith.constant dense<0.000000e+00> : vector<256x64xf32>
    %dot_general3A_7 = tpu.matmul %get3A_3, %get3A_6, %dot_general3A {dimension_numbers = #tpu.dot_dimension_numbers<[1], [0], [0], [1], [0, 0, 1, 1], [], []>, transpose_lhs_hint = false} : vector<256x1024xf32>, vector<1024x64xf32>, vector<256x64xf32> -> vector<256x64xf32>
    %slice3A = vector.extract_strided_slice %get3A_3 {offsets = [0, 0], sizes = [256, 512], strides = [1, 1]} : vector<256x1024xf32> to vector<256x512xf32>
    %bitcast_convert_type3A = tpu.bitcast %slice3A : vector<256x512xf32> -> vector<256x512xi32>
    %shift_right_arithmetic3A = arith.constant 16 : i32
    %shift_right_arithmetic3A_8 = vector.broadcast %shift_right_arithmetic3A : i32 to vector<256x512xi32>
    %shift_right_arithmetic3A_9 = arith.shrsi %bitcast_convert_type3A, %shift_right_arithmetic3A_8 : vector<256x512xi32>
    %and3A = arith.constant 1 : i32
    %and3A_10 = vector.broadcast %and3A : i32 to vector<256x512xi32>
    %and3A_11 = arith.andi %shift_right_arithmetic3A_9, %and3A_10 : vector<256x512xi32>
    %add3A = arith.constant 32767 : i32
    %add3A_12 = vector.broadcast %add3A : i32 to vector<256x512xi32>
    %add3A_13 = arith.addi %and3A_11, %add3A_12 : vector<256x512xi32>
    %add3A_14 = arith.addi %bitcast_convert_type3A, %add3A_13 : vector<256x512xi32>
    %slice3A_15 = vector.extract_strided_slice %get3A_3 {offsets = [0, 512], sizes = [256, 512], strides = [1, 1]} : vector<256x1024xf32> to vector<256x512xf32>
    %bitcast_convert_type3A_16 = tpu.bitcast %slice3A_15 : vector<256x512xf32> -> vector<256x512xi32>
    %shift_right_arithmetic3A_17 = arith.constant 16 : i32
    %shift_right_arithmetic3A_18 = vector.broadcast %shift_right_arithmetic3A_17 : i32 to vector<256x512xi32>
    %shift_right_arithmetic3A_19 = arith.shrsi %bitcast_convert_type3A_16, %shift_right_arithmetic3A_18 : vector<256x512xi32>
    %and3A_20 = arith.constant 1 : i32
    %and3A_21 = vector.broadcast %and3A_20 : i32 to vector<256x512xi32>
    %and3A_22 = arith.andi %shift_right_arithmetic3A_19, %and3A_21 : vector<256x512xi32>
    %add3A_23 = arith.constant 32767 : i32
    %add3A_24 = vector.broadcast %add3A_23 : i32 to vector<256x512xi32>
    %add3A_25 = arith.addi %and3A_22, %add3A_24 : vector<256x512xi32>
    %add3A_26 = arith.addi %bitcast_convert_type3A_16, %add3A_25 : vector<256x512xi32>
    %shift_right_arithmetic3A_27 = arith.constant 16 : i32
    %shift_right_arithmetic3A_28 = vector.broadcast %shift_right_arithmetic3A_27 : i32 to vector<256x512xi32>
    %shift_right_arithmetic3A_29 = arith.shrsi %add3A_14, %shift_right_arithmetic3A_28 : vector<256x512xi32>
    %and3A_30 = arith.constant 65535 : i32
    %and3A_31 = vector.broadcast %and3A_30 : i32 to vector<256x512xi32>
    %and3A_32 = arith.andi %shift_right_arithmetic3A_29, %and3A_31 : vector<256x512xi32>
    %and3A_33 = arith.constant -65536 : i32
    %and3A_34 = vector.broadcast %and3A_33 : i32 to vector<256x512xi32>
    %and3A_35 = arith.andi %add3A_26, %and3A_34 : vector<256x512xi32>
    %or3A = arith.ori %and3A_32, %and3A_35 : vector<256x512xi32>
    %swap3A = arith.constant 0 : index
    %swap3A_36 = arith.constant 0 : index
    %swap3A_37 = vector.load %arg3[%swap3A, %swap3A_36] : memref<256x512xi32, #tpu.memory_space<vmem>>, vector<256x512xi32>
    tpu.vector_store %arg3[%swap3A, %swap3A_36], %or3A {strides = array<i32>} : memref<256x512xi32, #tpu.memory_space<vmem>>, vector<256x512xi32>,
    %reduce_max3A = arith.constant dense<0xFF800000> : vector<256xf32>
    %reduce_max3A_38 = vector.multi_reduction <maximumf>, %dot_general3A_7, %reduce_max3A [1] : vector<256x64xf32> to vector<256xf32>
    %broadcast_in_dim3A = vector.shape_cast %reduce_max3A_38 : vector<256xf32> to vector<256x1xf32>
    %sub3A = vector.broadcast %broadcast_in_dim3A : vector<256x1xf32> to vector<256x64xf32>
    %sub3A_39 = arith.subf %dot_general3A_7, %sub3A : vector<256x64xf32>
    %exp3A = math.exp %sub3A_39 : vector<256x64xf32>
    %reduce_sum3A = arith.constant dense<0.000000e+00> : vector<256xf32>
    %reduce_sum3A_40 = vector.multi_reduction <add>, %exp3A, %reduce_sum3A [1] : vector<256x64xf32> to vector<256xf32>
    %broadcast_in_dim3A_41 = vector.shape_cast %reduce_sum3A_40 : vector<256xf32> to vector<256x1xf32>
    %div3A = vector.broadcast %broadcast_in_dim3A_41 : vector<256x1xf32> to vector<256x64xf32>
    %div3A_42 = arith.divf %exp3A, %div3A : vector<256x64xf32>
    %reduce_max3A_43 = arith.constant dense<0xFF800000> : vector<256xf32>
    %reduce_max3A_44 = vector.multi_reduction <maximumf>, %div3A_42, %reduce_max3A_43 [1] : vector<256x64xf32> to vector<256xf32>
    %broadcast_in_dim3A_45 = vector.shape_cast %reduce_max3A_44 : vector<256xf32> to vector<256x1xf32>
    %iota3A = tpu.iota {dimensions = array<i32: 1>} : vector<256x64xi32>
    %eq3A_46 = vector.broadcast %broadcast_in_dim3A_45 : vector<256x1xf32> to vector<256x64xf32>
    %eq3A_47 = arith.cmpf oeq, %div3A_42, %eq3A_46 : vector<256x64xf32>
    %jit3A = arith.constant 64 : i32
    %broadcast_in_dim3A_48 = vector.broadcast %jit3A : i32 to vector<256x64xi32>
    %select_n3A = arith.select %eq3A_47, %iota3A, %broadcast_in_dim3A_48 : vector<256x64xi1>, vector<256x64xi32>
    %reduce_min3A = arith.constant dense<2147483647> : vector<256xi32>
    %reduce_min3A_49 = vector.multi_reduction <minsi>, %select_n3A, %reduce_min3A [1] : vector<256x64xi32> to vector<256xi32>
    %broadcast_in_dim3A_50 = vector.shape_cast %reduce_min3A_49 : vector<256xi32> to vector<256x1xi32>
    %eq3A_51 = vector.broadcast %broadcast_in_dim3A_50 : vector<256x1xi32> to vector<256x64xi32>
    %eq3A_52 = arith.cmpi eq, %iota3A, %eq3A_51 : vector<256x64xi32>
    %convert_element_type3A_53 = arith.extui %eq3A_52 : vector<256x64xi1> to vector<256x64xi32>
    %convert_element_type3A_54 = arith.sitofp %convert_element_type3A_53 : vector<256x64xi32> to vector<256x64xf32>
    %iota3A_55 = tpu.iota {dimensions = array<i32: 0>} : vector<256x256xi32>
    %iota3A_56 = tpu.iota {dimensions = array<i32: 1>} : vector<256x256xi32>
    %le3A = arith.cmpi sle, %iota3A_56, %iota3A_55 : vector<256x256xi32>
    %convert_element_type3A_57 = arith.extui %le3A : vector<256x256xi1> to vector<256x256xi32>
    %convert_element_type3A_58 = arith.sitofp %convert_element_type3A_57 : vector<256x256xi32> to vector<256x256xf32>
    %dot_general3A_59 = arith.constant dense<0.000000e+00> : vector<256x64xf32>
    %dot_general3A_60 = tpu.matmul %convert_element_type3A_58, %convert_element_type3A_54, %dot_general3A_59 {dimension_numbers = #tpu.dot_dimension_numbers<[1], [0], [0], [1], [0, 0, 1, 1], [], []>, transpose_lhs_hint = false} : vector<256x256xf32>, vector<256x64xf32>, vector<256x64xf32> -> vector<256x64xf32>
    %get3A_61 = arith.constant 0 : index
    %get3A_62 = arith.constant 0 : index
    %get3A_63 = vector.load %arg8[%get3A_61, %get3A_62] : memref<8x64xf32, #tpu.memory_space<vmem>>, vector<1x64xf32>
    %add3A_64 = vector.broadcast %get3A_63 : vector<1x64xf32> to vector<256x64xf32>
    %add3A_65 = arith.addf %dot_general3A_60, %add3A_64 : vector<256x64xf32>
    %mul3A = arith.mulf %add3A_65, %convert_element_type3A_54 : vector<256x64xf32>
    %reduce_sum3A_66 = arith.constant dense<0.000000e+00> : vector<256xf32>
    %reduce_sum3A_67 = vector.multi_reduction <add>, %mul3A, %reduce_sum3A_66 [1] : vector<256x64xf32> to vector<256xf32>
    %broadcast_in_dim3A_68 = vector.shape_cast %reduce_sum3A_67 : vector<256xf32> to vector<256x1xf32>
    %sub3A_69 = arith.constant 1.000000e+00 : f32
    %sub3A_70 = vector.broadcast %sub3A_69 : f32 to vector<256x1xf32>
    %sub3A_71 = arith.subf %broadcast_in_dim3A_68, %sub3A_70 : vector<256x1xf32>
    %convert_element_type3A_72 = arith.fptosi %sub3A_71 : vector<256x1xf32> to vector<256x1xi32>
    %lt3A = arith.constant 128 : i32
    %lt3A_73 = vector.broadcast %lt3A : i32 to vector<256x1xi32>
    %lt3A_74 = arith.cmpi slt, %convert_element_type3A_72, %lt3A_73 : vector<256x1xi32>
    %jit3A_75 = arith.constant 0.000000e+00 : f32
    %broadcast_in_dim3A_76 = vector.broadcast %jit3A_75 : f32 to vector<256x1xf32>
    %select_n3A_77 = arith.select %lt3A_74, %broadcast_in_dim3A_45, %broadcast_in_dim3A_76 : vector<256x1xi1>, vector<256x1xf32>
    %mul3A_78 = arith.constant 128 : i32
    %mul3A_79 = vector.broadcast %mul3A_78 : i32 to vector<256x1xi32>
    %mul3A_80 = arith.muli %broadcast_in_dim3A_50, %mul3A_79 : vector<256x1xi32>
    %add3A_81 = arith.addi %mul3A_80, %convert_element_type3A_72 : vector<256x1xi32>
    %jit3A_82 = arith.constant 8192 : i32
    %broadcast_in_dim3A_83 = vector.broadcast %jit3A_82 : i32 to vector<256x1xi32>
    %select_n3A_84 = arith.select %lt3A_74, %add3A_81, %broadcast_in_dim3A_83 : vector<256x1xi1>, vector<256x1xi32>
    %mul3A_85 = arith.constant 128 : i32
    %mul3A_86 = vector.broadcast %mul3A_85 : i32 to vector<256x1xi32>
    %mul3A_87 = arith.muli %broadcast_in_dim3A_50, %mul3A_86 : vector<256x1xi32>
    %min3A = arith.constant 127 : i32
    %min3A_88 = vector.broadcast %min3A : i32 to vector<256x1xi32>
    %min3A_89 = arith.minsi %convert_element_type3A_72, %min3A_88 : vector<256x1xi32>
    %add3A_90 = arith.addi %mul3A_87, %min3A_89 : vector<256x1xi32>
    %swap3A_91 = arith.constant 0 : index
    %swap3A_92 = arith.constant 0 : index
    %swap3A_93 = vector.load %arg4[%swap3A_91, %swap3A_92] : memref<256x1xi32, #tpu.memory_space<vmem>>, vector<256x1xi32>
    tpu.vector_store %arg4[%swap3A_91, %swap3A_92], %select_n3A_84 {strides = array<i32>} : memref<256x1xi32, #tpu.memory_space<vmem>>, vector<256x1xi32>,
    %swap3A_94 = arith.constant 0 : index
    %swap3A_95 = arith.constant 0 : index
    %swap3A_96 = vector.load %arg5[%swap3A_94, %swap3A_95] : memref<256x1xi32, #tpu.memory_space<vmem>>, vector<256x1xi32>
    tpu.vector_store %arg5[%swap3A_94, %swap3A_95], %add3A_90 {strides = array<i32>} : memref<256x1xi32, #tpu.memory_space<vmem>>, vector<256x1xi32>,
    %swap3A_97 = arith.constant 0 : index
    %swap3A_98 = arith.constant 0 : index
    %swap3A_99 = vector.load %arg6[%swap3A_97, %swap3A_98] : memref<256x1xf32, #tpu.memory_space<vmem>>, vector<256x1xf32>
    tpu.vector_store %arg6[%swap3A_97, %swap3A_98], %select_n3A_77 {strides = array<i32>} : memref<256x1xf32, #tpu.memory_space<vmem>>, vector<256x1xf32>,
    %slice3A_100 = vector.extract_strided_slice %dot_general3A_60 {offsets = [255, 0], sizes = [1, 64], strides = [1, 1]} : vector<256x64xf32> to vector<1x64xf32>
    %add3A_101 = arith.addf %get3A_63, %slice3A_100 : vector<1x64xf32>
    %swap3A_102 = arith.constant 0 : index
    %swap3A_103 = arith.constant 0 : index
    %swap3A_104 = vector.load %arg8[%swap3A_102, %swap3A_103] : memref<8x64xf32, #tpu.memory_space<vmem>>, vector<1x64xf32>
    tpu.vector_store %arg8[%swap3A_102, %swap3A_103], %add3A_101 {strides = array<i32>} : memref<8x64xf32, #tpu.memory_space<vmem>>, vector<1x64xf32>,
    %get3A_105 = arith.constant 1 : index
    %get3A_106 = arith.constant 0 : index
    %get3A_107 = vector.load %arg8[%get3A_105, %get3A_106] : memref<8x64xf32, #tpu.memory_space<vmem>>, vector<1x64xf32>
    %reduce_sum3A_108 = arith.constant dense<0.000000e+00> : vector<64xf32>
    %reduce_sum3A_109 = vector.multi_reduction <add>, %div3A_42, %reduce_sum3A_108 [0] : vector<256x64xf32> to vector<64xf32>
    %broadcast_in_dim3A_110 = vector.shape_cast %reduce_sum3A_109 : vector<64xf32> to vector<1x64xf32>
    %add3A_111 = arith.addf %get3A_107, %broadcast_in_dim3A_110 : vector<1x64xf32>
    %swap3A_112 = arith.constant 1 : index
    %swap3A_113 = arith.constant 0 : index
    %swap3A_114 = vector.load %arg8[%swap3A_112, %swap3A_113] : memref<8x64xf32, #tpu.memory_space<vmem>>, vector<1x64xf32>
    tpu.vector_store %arg8[%swap3A_112, %swap3A_113], %add3A_111 {strides = array<i32>} : memref<8x64xf32, #tpu.memory_space<vmem>>, vector<1x64xf32>,
    %get3A_115 = arith.constant 0 : index
    %get3A_116 = arith.constant 0 : index
    %get3A_117 = vector.load %arg8[%get3A_115, %get3A_116] : memref<8x64xf32, #tpu.memory_space<vmem>>, vector<1x64xf32>
    %get3A_118 = arith.constant 1 : index
    %get3A_119 = arith.constant 0 : index
    %get3A_120 = vector.load %arg8[%get3A_118, %get3A_119] : memref<8x64xf32, #tpu.memory_space<vmem>>, vector<1x64xf32>
    %mul3A_121 = arith.mulf %get3A_117, %get3A_120 : vector<1x64xf32>
    %reduce_sum3A_122 = vector.shape_cast %mul3A_121 : vector<1x64xf32> to vector<1x1x64xf32>
    %reduce_sum3A_123 = arith.constant dense<0.000000e+00> : vector<1xf32>
    %reduce_sum3A_124 = vector.multi_reduction <add>, %reduce_sum3A_122, %reduce_sum3A_123 [1, 2] : vector<1x1x64xf32> to vector<1xf32>
    %reduce_sum3A_125 = vector.shape_cast %reduce_sum3A_124 : vector<1xf32> to vector<1x1x1xf32>
    %reduce_sum3A_126 = vector.extract %reduce_sum3A_125[0, 0, 0] : f32 from vector<1x1x1xf32>
    %mul3A_127 = arith.constant 3.81469727E-6 : f32
    %mul3A_128 = arith.mulf %reduce_sum3A_126, %mul3A_127 : f32
    %iota3A_129 = tpu.iota {dimensions = array<i32: 0>} : vector<8x128xi32>
    %eq3A_130 = arith.constant 0 : i32
    %eq3A_131 = vector.broadcast %eq3A_130 : i32 to vector<8x128xi32>
    %eq3A_132 = arith.cmpi eq, %iota3A_129, %eq3A_131 : vector<8x128xi32>
    %iota3A_133 = tpu.iota {dimensions = array<i32: 1>} : vector<8x128xi32>
    %eq3A_134 = arith.constant 0 : i32
    %eq3A_135 = vector.broadcast %eq3A_134 : i32 to vector<8x128xi32>
    %eq3A_136 = arith.cmpi eq, %iota3A_133, %eq3A_135 : vector<8x128xi32>
    %and3A_137 = arith.andi %eq3A_132, %eq3A_136 : vector<8x128xi1>
    %jit3A_138 = arith.constant 0.000000e+00 : f32
    %broadcast_in_dim3A_139 = vector.broadcast %mul3A_128 : f32 to vector<8x128xf32>
    %broadcast_in_dim3A_140 = vector.broadcast %jit3A_138 : f32 to vector<8x128xf32>
    %select_n3A_141 = arith.select %and3A_137, %broadcast_in_dim3A_139, %broadcast_in_dim3A_140 : vector<8x128xi1>, vector<8x128xf32>
    %swap3A_142 = arith.constant 0 : index
    %swap3A_143 = arith.constant 0 : index
    %swap3A_144 = vector.load %arg7[%swap3A_142, %swap3A_143] : memref<8x128xf32, #tpu.memory_space<vmem>>, vector<8x128xf32>
    tpu.vector_store %arg7[%swap3A_142, %swap3A_143], %select_n3A_141 {strides = array<i32>} : memref<8x128xf32, #tpu.memory_space<vmem>>, vector<8x128xf32>,
    return
  }
  func.func @transform_0(%arg0: i32) -> (i32, i32) {
    %c0_i32 = arith.constant 0 : i32
    %c0_i32_0 = arith.constant 0 : i32
    return %arg0, %c0_i32 : i32, i32
  }
  func.func @transform_1(%arg0: i32) -> (i32, i32) {
    %c0_i32 = arith.constant 0 : i32
    %c0_i32_0 = arith.constant 0 : i32
    %c0_i32_1 = arith.constant 0 : i32
    return %c0_i32, %c0_i32_0 : i32, i32
  }
  func.func @transform_2(%arg0: i32) -> (i32, i32) {
    %c0_i32 = arith.constant 0 : i32
    %c0_i32_0 = arith.constant 0 : i32
    return %arg0, %c0_i32 : i32, i32
  }
  func.func @transform_3(%arg0: i32) -> (i32, i32) {
    %c0_i32 = arith.constant 0 : i32
    %c0_i32_0 = arith.constant 0 : i32
    return %arg0, %c0_i32 : i32, i32
  }
  func.func @transform_4(%arg0: i32) -> (i32, i32) {
    %c0_i32 = arith.constant 0 : i32
    %c0_i32_0 = arith.constant 0 : i32
    return %arg0, %c0_i32 : i32, i32
  }
  func.func @transform_5(%arg0: i32) -> (i32, i32) {
    %c0_i32 = arith.constant 0 : i32
    %c0_i32_0 = arith.constant 0 : i32
    return %arg0, %c0_i32 : i32, i32
  }
  func.func @transform_6(%arg0: i32) -> (i32, i32) {
    %c0_i32 = arith.constant 0 : i32
    %c0_i32_0 = arith.constant 0 : i32
    %c0_i32_1 = arith.constant 0 : i32
    return %c0_i32, %c0_i32_0 : i32, i32
  }
}

module attributes {stable_mosaic.version = 14 : i64} {
  func.func @_ffn_body(%arg0: i32, %arg1: memref<256x512xi32, #tpu.memory_space<vmem>>, %arg2: memref<2x1024x512xf32, #tpu.memory_space<vmem>>, %arg3: memref<2x1x512xf32, #tpu.memory_space<vmem>>, %arg4: memref<2x512x1024xf32, #tpu.memory_space<vmem>>, %arg5: memref<2x1x1024xf32, #tpu.memory_space<vmem>>, %arg6: memref<256x512xi32, #tpu.memory_space<vmem>>) attributes {dimension_semantics = [#tpu.dimension_semantics<arbitrary>], iteration_bounds = array<i64: 32>, scalar_prefetch = 0 : i64, scratch_operands = 0 : i64, tpu.core_type = #tpu.core_type<tc>, window_params = [{transform_indices = @transform_0, window_bounds = array<i64: 256, 512>}, {transform_indices = @transform_1, window_bounds = array<i64: 2, 1024, 512>}, {transform_indices = @transform_2, window_bounds = array<i64: 2, 1, 512>}, {transform_indices = @transform_3, window_bounds = array<i64: 2, 512, 1024>}, {transform_indices = @transform_4, window_bounds = array<i64: 2, 1, 1024>}, {transform_indices = @transform_5, window_bounds = array<i64: 256, 512>}]} {
    %get3A = arith.constant 0 : index
    %get3A_0 = arith.constant 0 : index
    %get3A_1 = vector.load %arg1[%get3A, %get3A_0] : memref<256x512xi32, #tpu.memory_space<vmem>>, vector<128x512xi32>
    %shift_left3A = arith.constant 16 : i32
    %shift_left3A_2 = vector.broadcast %shift_left3A : i32 to vector<128x512xi32>
    %shift_left3A_3 = arith.shli %get3A_1, %shift_left3A_2 : vector<128x512xi32>
    %bitcast_convert_type3A = tpu.bitcast %shift_left3A_3 : vector<128x512xi32> -> vector<128x512xf32>
    %and3A = arith.constant -65536 : i32
    %and3A_4 = vector.broadcast %and3A : i32 to vector<128x512xi32>
    %and3A_5 = arith.andi %get3A_1, %and3A_4 : vector<128x512xi32>
    %bitcast_convert_type3A_6 = tpu.bitcast %and3A_5 : vector<128x512xi32> -> vector<128x512xf32>
    %get3A_7 = arith.constant 0 : index
    %get3A_8 = arith.constant 0 : index
    %get3A_9 = arith.constant 0 : index
    %get3A_10 = vector.load %arg2[%get3A_7, %get3A_8, %get3A_9] : memref<2x1024x512xf32, #tpu.memory_space<vmem>>, vector<1x1024x512xf32>
    %get3A_11 = vector.shape_cast %get3A_10 : vector<1x1024x512xf32> to vector<1024x512xf32>
    %slice3A = vector.extract_strided_slice %get3A_11 {offsets = [0, 0], sizes = [512, 512], strides = [1, 1]} : vector<1024x512xf32> to vector<512x512xf32>
    %dot_general3A = arith.constant dense<0.000000e+00> : vector<128x512xf32>
    %dot_general3A_12 = tpu.matmul %bitcast_convert_type3A, %slice3A, %dot_general3A {dimension_numbers = #tpu.dot_dimension_numbers<[1], [0], [0], [1], [0, 0, 1, 1], [], []>, transpose_lhs_hint = false} : vector<128x512xf32>, vector<512x512xf32>, vector<128x512xf32> -> vector<128x512xf32>
    %slice3A_13 = vector.extract_strided_slice %get3A_11 {offsets = [512, 0], sizes = [512, 512], strides = [1, 1]} : vector<1024x512xf32> to vector<512x512xf32>
    %dot_general3A_14 = arith.constant dense<0.000000e+00> : vector<128x512xf32>
    %dot_general3A_15 = tpu.matmul %bitcast_convert_type3A_6, %slice3A_13, %dot_general3A_14 {dimension_numbers = #tpu.dot_dimension_numbers<[1], [0], [0], [1], [0, 0, 1, 1], [], []>, transpose_lhs_hint = false} : vector<128x512xf32>, vector<512x512xf32>, vector<128x512xf32> -> vector<128x512xf32>
    %add3A = arith.addf %dot_general3A_12, %dot_general3A_15 : vector<128x512xf32>
    %get3A_16 = arith.constant 0 : index
    %get3A_17 = arith.constant 0 : index
    %get3A_18 = arith.constant 0 : index
    %get3A_19 = vector.load %arg3[%get3A_16, %get3A_17, %get3A_18] : memref<2x1x512xf32, #tpu.memory_space<vmem>>, vector<1x1x512xf32>
    %get3A_20 = vector.shape_cast %get3A_19 : vector<1x1x512xf32> to vector<1x512xf32>
    %add3A_21 = vector.broadcast %get3A_20 : vector<1x512xf32> to vector<128x512xf32>
    %add3A_22 = arith.addf %add3A, %add3A_21 : vector<128x512xf32>
    %max3A = arith.constant 0.000000e+00 : f32
    %max3A_23 = vector.broadcast %max3A : f32 to vector<128x512xf32>
    %max3A_24 = arith.maximumf %add3A_22, %max3A_23 : vector<128x512xf32>
    %get3A_25 = arith.constant 0 : index
    %get3A_26 = arith.constant 0 : index
    %get3A_27 = arith.constant 0 : index
    %get3A_28 = vector.load %arg4[%get3A_25, %get3A_26, %get3A_27] : memref<2x512x1024xf32, #tpu.memory_space<vmem>>, vector<1x512x1024xf32>
    %get3A_29 = vector.shape_cast %get3A_28 : vector<1x512x1024xf32> to vector<512x1024xf32>
    %dot_general3A_30 = arith.constant dense<0.000000e+00> : vector<128x1024xf32>
    %dot_general3A_31 = tpu.matmul %max3A_24, %get3A_29, %dot_general3A_30 {dimension_numbers = #tpu.dot_dimension_numbers<[1], [0], [0], [1], [0, 0, 1, 1], [], []>, transpose_lhs_hint = false} : vector<128x512xf32>, vector<512x1024xf32>, vector<128x1024xf32> -> vector<128x1024xf32>
    %get3A_32 = arith.constant 0 : index
    %get3A_33 = arith.constant 0 : index
    %get3A_34 = arith.constant 0 : index
    %get3A_35 = vector.load %arg5[%get3A_32, %get3A_33, %get3A_34] : memref<2x1x1024xf32, #tpu.memory_space<vmem>>, vector<1x1x1024xf32>
    %get3A_36 = vector.shape_cast %get3A_35 : vector<1x1x1024xf32> to vector<1x1024xf32>
    %add3A_37 = vector.broadcast %get3A_36 : vector<1x1024xf32> to vector<128x1024xf32>
    %add3A_38 = arith.addf %dot_general3A_31, %add3A_37 : vector<128x1024xf32>
    %slice3A_39 = vector.extract_strided_slice %add3A_38 {offsets = [0, 0], sizes = [128, 512], strides = [1, 1]} : vector<128x1024xf32> to vector<128x512xf32>
    %bitcast_convert_type3A_40 = tpu.bitcast %slice3A_39 : vector<128x512xf32> -> vector<128x512xi32>
    %shift_right_arithmetic3A = arith.constant 16 : i32
    %shift_right_arithmetic3A_41 = vector.broadcast %shift_right_arithmetic3A : i32 to vector<128x512xi32>
    %shift_right_arithmetic3A_42 = arith.shrsi %bitcast_convert_type3A_40, %shift_right_arithmetic3A_41 : vector<128x512xi32>
    %and3A_43 = arith.constant 1 : i32
    %and3A_44 = vector.broadcast %and3A_43 : i32 to vector<128x512xi32>
    %and3A_45 = arith.andi %shift_right_arithmetic3A_42, %and3A_44 : vector<128x512xi32>
    %add3A_46 = arith.constant 32767 : i32
    %add3A_47 = vector.broadcast %add3A_46 : i32 to vector<128x512xi32>
    %add3A_48 = arith.addi %and3A_45, %add3A_47 : vector<128x512xi32>
    %add3A_49 = arith.addi %bitcast_convert_type3A_40, %add3A_48 : vector<128x512xi32>
    %slice3A_50 = vector.extract_strided_slice %add3A_38 {offsets = [0, 512], sizes = [128, 512], strides = [1, 1]} : vector<128x1024xf32> to vector<128x512xf32>
    %bitcast_convert_type3A_51 = tpu.bitcast %slice3A_50 : vector<128x512xf32> -> vector<128x512xi32>
    %shift_right_arithmetic3A_52 = arith.constant 16 : i32
    %shift_right_arithmetic3A_53 = vector.broadcast %shift_right_arithmetic3A_52 : i32 to vector<128x512xi32>
    %shift_right_arithmetic3A_54 = arith.shrsi %bitcast_convert_type3A_51, %shift_right_arithmetic3A_53 : vector<128x512xi32>
    %and3A_55 = arith.constant 1 : i32
    %and3A_56 = vector.broadcast %and3A_55 : i32 to vector<128x512xi32>
    %and3A_57 = arith.andi %shift_right_arithmetic3A_54, %and3A_56 : vector<128x512xi32>
    %add3A_58 = arith.constant 32767 : i32
    %add3A_59 = vector.broadcast %add3A_58 : i32 to vector<128x512xi32>
    %add3A_60 = arith.addi %and3A_57, %add3A_59 : vector<128x512xi32>
    %add3A_61 = arith.addi %bitcast_convert_type3A_51, %add3A_60 : vector<128x512xi32>
    %shift_right_arithmetic3A_62 = arith.constant 16 : i32
    %shift_right_arithmetic3A_63 = vector.broadcast %shift_right_arithmetic3A_62 : i32 to vector<128x512xi32>
    %shift_right_arithmetic3A_64 = arith.shrsi %add3A_49, %shift_right_arithmetic3A_63 : vector<128x512xi32>
    %and3A_65 = arith.constant 65535 : i32
    %and3A_66 = vector.broadcast %and3A_65 : i32 to vector<128x512xi32>
    %and3A_67 = arith.andi %shift_right_arithmetic3A_64, %and3A_66 : vector<128x512xi32>
    %and3A_68 = arith.constant -65536 : i32
    %and3A_69 = vector.broadcast %and3A_68 : i32 to vector<128x512xi32>
    %and3A_70 = arith.andi %add3A_61, %and3A_69 : vector<128x512xi32>
    %or3A = arith.ori %and3A_67, %and3A_70 : vector<128x512xi32>
    %swap3A = arith.constant 0 : index
    %swap3A_71 = arith.constant 0 : index
    %swap3A_72 = vector.load %arg6[%swap3A, %swap3A_71] : memref<256x512xi32, #tpu.memory_space<vmem>>, vector<128x512xi32>
    tpu.vector_store %arg6[%swap3A, %swap3A_71], %or3A {strides = array<i32>} : memref<256x512xi32, #tpu.memory_space<vmem>>, vector<128x512xi32>,
    %get3A_73 = arith.constant 128 : index
    %get3A_74 = arith.constant 0 : index
    %get3A_75 = vector.load %arg1[%get3A_73, %get3A_74] : memref<256x512xi32, #tpu.memory_space<vmem>>, vector<128x512xi32>
    %shift_left3A_76 = arith.constant 16 : i32
    %shift_left3A_77 = vector.broadcast %shift_left3A_76 : i32 to vector<128x512xi32>
    %shift_left3A_78 = arith.shli %get3A_75, %shift_left3A_77 : vector<128x512xi32>
    %bitcast_convert_type3A_79 = tpu.bitcast %shift_left3A_78 : vector<128x512xi32> -> vector<128x512xf32>
    %and3A_80 = arith.constant -65536 : i32
    %and3A_81 = vector.broadcast %and3A_80 : i32 to vector<128x512xi32>
    %and3A_82 = arith.andi %get3A_75, %and3A_81 : vector<128x512xi32>
    %bitcast_convert_type3A_83 = tpu.bitcast %and3A_82 : vector<128x512xi32> -> vector<128x512xf32>
    %get3A_84 = arith.constant 1 : index
    %get3A_85 = arith.constant 0 : index
    %get3A_86 = arith.constant 0 : index
    %get3A_87 = vector.load %arg2[%get3A_84, %get3A_85, %get3A_86] : memref<2x1024x512xf32, #tpu.memory_space<vmem>>, vector<1x1024x512xf32>
    %get3A_88 = vector.shape_cast %get3A_87 : vector<1x1024x512xf32> to vector<1024x512xf32>
    %slice3A_89 = vector.extract_strided_slice %get3A_88 {offsets = [0, 0], sizes = [512, 512], strides = [1, 1]} : vector<1024x512xf32> to vector<512x512xf32>
    %dot_general3A_90 = arith.constant dense<0.000000e+00> : vector<128x512xf32>
    %dot_general3A_91 = tpu.matmul %bitcast_convert_type3A_79, %slice3A_89, %dot_general3A_90 {dimension_numbers = #tpu.dot_dimension_numbers<[1], [0], [0], [1], [0, 0, 1, 1], [], []>, transpose_lhs_hint = false} : vector<128x512xf32>, vector<512x512xf32>, vector<128x512xf32> -> vector<128x512xf32>
    %slice3A_92 = vector.extract_strided_slice %get3A_88 {offsets = [512, 0], sizes = [512, 512], strides = [1, 1]} : vector<1024x512xf32> to vector<512x512xf32>
    %dot_general3A_93 = arith.constant dense<0.000000e+00> : vector<128x512xf32>
    %dot_general3A_94 = tpu.matmul %bitcast_convert_type3A_83, %slice3A_92, %dot_general3A_93 {dimension_numbers = #tpu.dot_dimension_numbers<[1], [0], [0], [1], [0, 0, 1, 1], [], []>, transpose_lhs_hint = false} : vector<128x512xf32>, vector<512x512xf32>, vector<128x512xf32> -> vector<128x512xf32>
    %add3A_95 = arith.addf %dot_general3A_91, %dot_general3A_94 : vector<128x512xf32>
    %get3A_96 = arith.constant 1 : index
    %get3A_97 = arith.constant 0 : index
    %get3A_98 = arith.constant 0 : index
    %get3A_99 = vector.load %arg3[%get3A_96, %get3A_97, %get3A_98] : memref<2x1x512xf32, #tpu.memory_space<vmem>>, vector<1x1x512xf32>
    %get3A_100 = vector.shape_cast %get3A_99 : vector<1x1x512xf32> to vector<1x512xf32>
    %add3A_101 = vector.broadcast %get3A_100 : vector<1x512xf32> to vector<128x512xf32>
    %add3A_102 = arith.addf %add3A_95, %add3A_101 : vector<128x512xf32>
    %max3A_103 = arith.constant 0.000000e+00 : f32
    %max3A_104 = vector.broadcast %max3A_103 : f32 to vector<128x512xf32>
    %max3A_105 = arith.maximumf %add3A_102, %max3A_104 : vector<128x512xf32>
    %get3A_106 = arith.constant 1 : index
    %get3A_107 = arith.constant 0 : index
    %get3A_108 = arith.constant 0 : index
    %get3A_109 = vector.load %arg4[%get3A_106, %get3A_107, %get3A_108] : memref<2x512x1024xf32, #tpu.memory_space<vmem>>, vector<1x512x1024xf32>
    %get3A_110 = vector.shape_cast %get3A_109 : vector<1x512x1024xf32> to vector<512x1024xf32>
    %dot_general3A_111 = arith.constant dense<0.000000e+00> : vector<128x1024xf32>
    %dot_general3A_112 = tpu.matmul %max3A_105, %get3A_110, %dot_general3A_111 {dimension_numbers = #tpu.dot_dimension_numbers<[1], [0], [0], [1], [0, 0, 1, 1], [], []>, transpose_lhs_hint = false} : vector<128x512xf32>, vector<512x1024xf32>, vector<128x1024xf32> -> vector<128x1024xf32>
    %get3A_113 = arith.constant 1 : index
    %get3A_114 = arith.constant 0 : index
    %get3A_115 = arith.constant 0 : index
    %get3A_116 = vector.load %arg5[%get3A_113, %get3A_114, %get3A_115] : memref<2x1x1024xf32, #tpu.memory_space<vmem>>, vector<1x1x1024xf32>
    %get3A_117 = vector.shape_cast %get3A_116 : vector<1x1x1024xf32> to vector<1x1024xf32>
    %add3A_118 = vector.broadcast %get3A_117 : vector<1x1024xf32> to vector<128x1024xf32>
    %add3A_119 = arith.addf %dot_general3A_112, %add3A_118 : vector<128x1024xf32>
    %slice3A_120 = vector.extract_strided_slice %add3A_119 {offsets = [0, 0], sizes = [128, 512], strides = [1, 1]} : vector<128x1024xf32> to vector<128x512xf32>
    %bitcast_convert_type3A_121 = tpu.bitcast %slice3A_120 : vector<128x512xf32> -> vector<128x512xi32>
    %shift_right_arithmetic3A_122 = arith.constant 16 : i32
    %shift_right_arithmetic3A_123 = vector.broadcast %shift_right_arithmetic3A_122 : i32 to vector<128x512xi32>
    %shift_right_arithmetic3A_124 = arith.shrsi %bitcast_convert_type3A_121, %shift_right_arithmetic3A_123 : vector<128x512xi32>
    %and3A_125 = arith.constant 1 : i32
    %and3A_126 = vector.broadcast %and3A_125 : i32 to vector<128x512xi32>
    %and3A_127 = arith.andi %shift_right_arithmetic3A_124, %and3A_126 : vector<128x512xi32>
    %add3A_128 = arith.constant 32767 : i32
    %add3A_129 = vector.broadcast %add3A_128 : i32 to vector<128x512xi32>
    %add3A_130 = arith.addi %and3A_127, %add3A_129 : vector<128x512xi32>
    %add3A_131 = arith.addi %bitcast_convert_type3A_121, %add3A_130 : vector<128x512xi32>
    %slice3A_132 = vector.extract_strided_slice %add3A_119 {offsets = [0, 512], sizes = [128, 512], strides = [1, 1]} : vector<128x1024xf32> to vector<128x512xf32>
    %bitcast_convert_type3A_133 = tpu.bitcast %slice3A_132 : vector<128x512xf32> -> vector<128x512xi32>
    %shift_right_arithmetic3A_134 = arith.constant 16 : i32
    %shift_right_arithmetic3A_135 = vector.broadcast %shift_right_arithmetic3A_134 : i32 to vector<128x512xi32>
    %shift_right_arithmetic3A_136 = arith.shrsi %bitcast_convert_type3A_133, %shift_right_arithmetic3A_135 : vector<128x512xi32>
    %and3A_137 = arith.constant 1 : i32
    %and3A_138 = vector.broadcast %and3A_137 : i32 to vector<128x512xi32>
    %and3A_139 = arith.andi %shift_right_arithmetic3A_136, %and3A_138 : vector<128x512xi32>
    %add3A_140 = arith.constant 32767 : i32
    %add3A_141 = vector.broadcast %add3A_140 : i32 to vector<128x512xi32>
    %add3A_142 = arith.addi %and3A_139, %add3A_141 : vector<128x512xi32>
    %add3A_143 = arith.addi %bitcast_convert_type3A_133, %add3A_142 : vector<128x512xi32>
    %shift_right_arithmetic3A_144 = arith.constant 16 : i32
    %shift_right_arithmetic3A_145 = vector.broadcast %shift_right_arithmetic3A_144 : i32 to vector<128x512xi32>
    %shift_right_arithmetic3A_146 = arith.shrsi %add3A_131, %shift_right_arithmetic3A_145 : vector<128x512xi32>
    %and3A_147 = arith.constant 65535 : i32
    %and3A_148 = vector.broadcast %and3A_147 : i32 to vector<128x512xi32>
    %and3A_149 = arith.andi %shift_right_arithmetic3A_146, %and3A_148 : vector<128x512xi32>
    %and3A_150 = arith.constant -65536 : i32
    %and3A_151 = vector.broadcast %and3A_150 : i32 to vector<128x512xi32>
    %and3A_152 = arith.andi %add3A_143, %and3A_151 : vector<128x512xi32>
    %or3A_153 = arith.ori %and3A_149, %and3A_152 : vector<128x512xi32>
    %swap3A_154 = arith.constant 128 : index
    %swap3A_155 = arith.constant 0 : index
    %swap3A_156 = vector.load %arg6[%swap3A_154, %swap3A_155] : memref<256x512xi32, #tpu.memory_space<vmem>>, vector<128x512xi32>
    tpu.vector_store %arg6[%swap3A_154, %swap3A_155], %or3A_153 {strides = array<i32>} : memref<256x512xi32, #tpu.memory_space<vmem>>, vector<128x512xi32>,
    return
  }
  func.func @transform_0(%arg0: i32) -> (i32, i32) {
    %c0_i32 = arith.constant 0 : i32
    %c0_i32_0 = arith.constant 0 : i32
    return %arg0, %c0_i32 : i32, i32
  }
  func.func @transform_1(%arg0: i32) -> (i32, i32, i32) {
    %c0_i32 = arith.constant 0 : i32
    %c0_i32_0 = arith.constant 0 : i32
    %c0_i32_1 = arith.constant 0 : i32
    return %arg0, %c0_i32, %c0_i32_0 : i32, i32, i32
  }
  func.func @transform_2(%arg0: i32) -> (i32, i32, i32) {
    %c0_i32 = arith.constant 0 : i32
    %c0_i32_0 = arith.constant 0 : i32
    %c0_i32_1 = arith.constant 0 : i32
    return %arg0, %c0_i32, %c0_i32_0 : i32, i32, i32
  }
  func.func @transform_3(%arg0: i32) -> (i32, i32, i32) {
    %c0_i32 = arith.constant 0 : i32
    %c0_i32_0 = arith.constant 0 : i32
    %c0_i32_1 = arith.constant 0 : i32
    return %arg0, %c0_i32, %c0_i32_0 : i32, i32, i32
  }
  func.func @transform_4(%arg0: i32) -> (i32, i32, i32) {
    %c0_i32 = arith.constant 0 : i32
    %c0_i32_0 = arith.constant 0 : i32
    %c0_i32_1 = arith.constant 0 : i32
    return %arg0, %c0_i32, %c0_i32_0 : i32, i32, i32
  }
  func.func @transform_5(%arg0: i32) -> (i32, i32) {
    %c0_i32 = arith.constant 0 : i32
    %c0_i32_0 = arith.constant 0 : i32
    return %arg0, %c0_i32 : i32, i32
  }
}

module attributes {stable_mosaic.version = 14 : i64} {
  func.func @_finish_body(%arg0: i32, %arg1: memref<512x512xi32, #tpu.memory_space<vmem>>, %arg2: memref<512x1xf32, #tpu.memory_space<vmem>>, %arg3: memref<512x1024xf32, #tpu.memory_space<vmem>>) attributes {dimension_semantics = [#tpu.dimension_semantics<arbitrary>], iteration_bounds = array<i64: 8>, scalar_prefetch = 0 : i64, scratch_operands = 0 : i64, tpu.core_type = #tpu.core_type<tc>, window_params = [{transform_indices = @transform_0, window_bounds = array<i64: 512, 512>}, {transform_indices = @transform_1, window_bounds = array<i64: 512, 1>}, {transform_indices = @transform_2, window_bounds = array<i64: 512, 1024>}]} {
    %get3A = arith.constant 0 : index
    %get3A_0 = arith.constant 0 : index
    %get3A_1 = vector.load %arg1[%get3A, %get3A_0] : memref<512x512xi32, #tpu.memory_space<vmem>>, vector<512x512xi32>
    %get3A_2 = arith.constant 0 : index
    %get3A_3 = arith.constant 0 : index
    %get3A_4 = vector.load %arg2[%get3A_2, %get3A_3] : memref<512x1xf32, #tpu.memory_space<vmem>>, vector<512x1xf32>
    %shift_left3A = arith.constant 16 : i32
    %shift_left3A_5 = vector.broadcast %shift_left3A : i32 to vector<512x512xi32>
    %shift_left3A_6 = arith.shli %get3A_1, %shift_left3A_5 : vector<512x512xi32>
    %bitcast_convert_type3A = tpu.bitcast %shift_left3A_6 : vector<512x512xi32> -> vector<512x512xf32>
    %mul3A = vector.broadcast %get3A_4 : vector<512x1xf32> to vector<512x512xf32>
    %mul3A_7 = arith.mulf %bitcast_convert_type3A, %mul3A : vector<512x512xf32>
    %and3A = arith.constant -65536 : i32
    %and3A_8 = vector.broadcast %and3A : i32 to vector<512x512xi32>
    %and3A_9 = arith.andi %get3A_1, %and3A_8 : vector<512x512xi32>
    %bitcast_convert_type3A_10 = tpu.bitcast %and3A_9 : vector<512x512xi32> -> vector<512x512xf32>
    %mul3A_11 = vector.broadcast %get3A_4 : vector<512x1xf32> to vector<512x512xf32>
    %mul3A_12 = arith.mulf %bitcast_convert_type3A_10, %mul3A_11 : vector<512x512xf32>
    %concatenate3A = tpu.concatenate %mul3A_7, %mul3A_12 in 1 : vector<512x512xf32>, vector<512x512xf32> -> vector<512x1024xf32>
    %swap3A = arith.constant 0 : index
    %swap3A_13 = arith.constant 0 : index
    %swap3A_14 = vector.load %arg3[%swap3A, %swap3A_13] : memref<512x1024xf32, #tpu.memory_space<vmem>>, vector<512x1024xf32>
    tpu.vector_store %arg3[%swap3A, %swap3A_13], %concatenate3A {strides = array<i32>} : memref<512x1024xf32, #tpu.memory_space<vmem>>, vector<512x1024xf32>,
    return
  }
  func.func @transform_0(%arg0: i32) -> (i32, i32) {
    %c0_i32 = arith.constant 0 : i32
    %c0_i32_0 = arith.constant 0 : i32
    return %arg0, %c0_i32 : i32, i32
  }
  func.func @transform_1(%arg0: i32) -> (i32, i32) {
    %c0_i32 = arith.constant 0 : i32
    %c0_i32_0 = arith.constant 0 : i32
    return %arg0, %c0_i32 : i32, i32
  }
  func.func @transform_2(%arg0: i32) -> (i32, i32) {
    %c0_i32 = arith.constant 0 : i32
    %c0_i32_0 = arith.constant 0 : i32
    return %arg0, %c0_i32 : i32, i32
  }
}

</mosaic_0001>

<sc_bundles>
// kernel: kernel.10.cloned.1.call-start
scs
__scs_entry_jumppad:
0x0: {  	(pc) =	sbr.rel $0x88, $3  }
0x1: {  	(tag) =	ssettag $0x0;
	lr =	simm.s32 $0x1  }
0x2: {  	[smem:$0x3F9B] =	sst lr;
	_ =	strace $0xD0000000  }
0x3: {  	_ = 	snop  }
0x4: {  	_ = 	snop  }
0x5: {  	_ = 	snop  }
0x6: {  	_ = 	snop  }
0x7: {  	_ = 	snop  }
__scs_overlays_trampoline_lowered:
0x8: {  	[smem:$0x3FAA] =	sst s0  }
0x9: {  	[smem:$0x3FAB] =	sst s1  }
0xa: {  	[smem:$0x3FAC] =	sst s2  }
0xb: {  	[smem:$0x3FAD] =	sst s3  }
0xc: {  	[smem:$0x3FAE] =	sst s4  }
0xd: {  	[smem:$0x3FAF] =	sst s5  }
0xe: {  	[smem:$0x3FB0] =	sst s6  }
0xf: {  	[smem:$0x3FB1] =	sst s7  }
0x10: {  	[smem:$0x3FB2] =	sst s8  }
0x11: {  	[smem:$0x3FB3] =	sst s9;
	s0 =	simm.s32 @!p0 $0x0  }
0x12: {  	s1 =	sld [smem:$0x3F99];
	s0 =	simm.s32 @p0 $0x1  }
0x13: {  	[smem:$0x3FB4] =	sst s0;
	s0 =	simm.s32 @!p1 $0x0  }
0x14: {  	s2 =	sld [smem:$0x3F98];
	s0 =	simm.s32 @p1 $0x1  }
0x15: {  	[smem:$0x3FB5] =	sst s0;
	s0 =	simm.s32 @!p2 $0x0  }
0x16: {  	s3 =	sld [smem:$0x3FDB];
	s0 =	simm.s32 @p2 $0x1  }
0x17: {  	s4 =	simm.s32 $0x1BF5;
	[smem:$0x3FB7] =	sst s0  }
0x18: {  	s0 =	sld [smem:$0x3F9A];
	_ =	swait.ge [sflag:s4], $0x0  }
0x19: {  	s7 =	sld [smem:$0x3F9B]  }
0x1a: {  	s8 =	sadd.s32 $0xFFFFE003, lr  }
0x1b: {  	s9 =	sadd.s32 $0xFFFFFEF7, lr;
	s5 =	simm.s32 $0xFFFFFFFF;
	p2 =	slt.u32 s8, $0xFFFFF086  }
0x1c: {  	p1 =	slt.u32 s9, $0xF7A;
	s5 =	simm.s32 @!p2 $0x0  }
0x1d: {  	s5 =	simm.s32 @p1 $0x1;
	p0 =	seq.s32 s7, s2  }
0x1e: {  	s7 =	smul.u32 @!p0 $0xF7A, s2;
	p2 =	seq.s32 @!p0 s5, $0x0  }
0x1f: {  	s9 =	smul.u32 $0xF7A, s1;
	s8 =	simm.s32 @!p0 $0x1BF5;
	p2 =	por !p2, p0  }
0x20: {  	[sflag:s8] =	ssyncset.s32 @!p0 $0xFFFFF086;
	s6 =	sadd.s32 @!p0 s3, s7;
	s7 =	simm.s32 @!p0 $0x108  }
0x21: {  	s3 =	sadd.s32 s3, s9;
	s6 =	sadd.s32 @!p0 $0x88, s6;
	s7 =	simm.s32 @p2 $0x1082  }
0x22: {  	[simem:s7], [sflag:s8] =	dma.local @!p0 [hbm:s6], $0xF7A  }
0x23: {  	s9 =	sor.u32 $0xD0000000, s2;
	s6 =	simm.s32 $0x108;
	_ =	swait.ge @!p0 [sflag:s8], $0x0  }
0x24: {  	s3 =	sadd.s32 $0x88, s3;
	s6 =	simm.s32 @!p1 $0x1082;
	[sflag:s4] =	ssyncset.s32 $0xFFFFF086  }
0x25: {  	[simem:s6], [sflag:s4] =	dma.local [hbm:s3], $0xF7A  }
0x26: {  	[smem:$0x3F9B] =	sst s1;
	(tag) =	ssettag s2;
	_ =	strace s9  }
0x27: {  	s1 =	sld [smem:$0x3FAB]  }
0x28: {  	s2 =	sld [smem:$0x3FAC]  }
0x29: {  	s4 =	sld [smem:$0x3FAE]  }
0x2a: {  	p0 =	seq.s32 s5, $0x0;
	s5 =	sld [smem:$0x3FAF]  }
0x2b: {  	s6 =	sld [smem:$0x3FB0]  }
0x2c: {  	s7 =	sld [smem:$0x3FB1]  }
0x2d: {  	s3 =	simm.s32 $0x108;
	s8 =	sld [smem:$0x3FB2]  }
0x2e: {  	s3 =	simm.s32 @!p0 $0x1082;
	s9 =	sld [smem:$0x3FB3]  }
0x2f: {  	lr =	sadd.s32 s0, s3;
	s0 =	sld [smem:$0x3FAA]  }
0x30: {  	s3 =	sld [smem:$0x3FAD]  }
0x31: {  	[smem:$0x3FB6] =	sst s10  }
0x32: {  	s10 =	sld [smem:$0x3FB4];
	_ =	sdelay $0x3  }
0x33: {  	p0 =	seq.s32 s10, $0x1;
	s10 =	sld [smem:$0x3FB6];
	_ =	sdelay $0x3  }
0x34: {  	[smem:$0x3FB6] =	sst s10  }
0x35: {  	s10 =	sld [smem:$0x3FB5];
	_ =	sdelay $0x3  }
0x36: {  	p1 =	seq.s32 s10, $0x1;
	s10 =	sld [smem:$0x3FB6];
	_ =	sdelay $0x3  }
0x37: {  	[smem:$0x3FB6] =	sst s10  }
0x38: {  	s10 =	sld [smem:$0x3FB7]  }
0x39: {  	_ = 	snop;
	(pc) =	sbr.ind lr, $3  }
0x3a: {  	_ = 	snop  }
0x3b: {  	_ = 	snop  }
0x3c: {  	p2 =	seq.s32 s10, $0x1;
	s10 =	sld [smem:$0x3FB6]  }
0x3d: {  	_ =	shalt  }
0x3e: {  	_ =	shalt  }
0x3f: {  	_ =	shalt  }
0x40: {  	_ =	shalt  }
0x41: {  	_ =	shalt  }
0x42: {  	_ =	shalt  }
0x43: {  	_ =	shalt  }
0x44: {  	_ =	shalt  }
0x45: {  	_ =	shalt  }
0x46: {  	_ =	shalt  }
0x47: {  	_ =	shalt  }
0x48: {  	_ =	shalt  }
0x49: {  	_ =	shalt  }
0x4a: {  	_ =	shalt  }
0x4b: {  	_ =	shalt  }
0x4c: {  	_ =	shalt  }
0x4d: {  	_ =	shalt  }
0x4e: {  	_ =	shalt  }
0x4f: {  	_ =	shalt  }
0x50: {  	_ =	shalt  }
0x51: {  	_ =	shalt  }
0x52: {  	_ =	shalt  }
0x53: {  	_ =	shalt  }
0x54: {  	_ =	shalt  }
0x55: {  	_ =	shalt  }
0x56: {  	_ =	shalt  }
0x57: {  	_ =	shalt  }
0x58: {  	_ =	shalt  }
0x59: {  	_ =	shalt  }
0x5a: {  	_ =	shalt  }
0x5b: {  	_ =	shalt  }
0x5c: {  	_ =	shalt  }
0x5d: {  	_ =	shalt  }
0x5e: {  	_ =	shalt  }
0x5f: {  	_ =	shalt  }
0x60: {  	_ =	shalt  }
0x61: {  	_ =	shalt  }
0x62: {  	_ =	shalt  }
0x63: {  	_ =	shalt  }
0x64: {  	_ =	shalt  }
0x65: {  	_ =	shalt  }
0x66: {  	_ =	shalt  }
0x67: {  	_ =	shalt  }
0x68: {  	_ =	shalt  }
0x69: {  	_ =	shalt  }
0x6a: {  	_ =	shalt  }
0x6b: {  	_ =	shalt  }
0x6c: {  	_ =	shalt  }
0x6d: {  	_ =	shalt  }
0x6e: {  	_ =	shalt  }
0x6f: {  	_ =	shalt  }
0x70: {  	_ =	shalt  }
0x71: {  	_ =	shalt  }
0x72: {  	_ =	shalt  }
0x73: {  	_ =	shalt  }
0x74: {  	_ =	shalt  }
0x75: {  	_ =	shalt  }
0x76: {  	_ =	shalt  }
0x77: {  	_ =	shalt  }
0x78: {  	_ =	shalt  }
0x79: {  	_ =	shalt  }
0x7a: {  	_ =	shalt  }
0x7b: {  	_ =	shalt  }
0x7c: {  	_ =	shalt  }
0x7d: {  	_ =	shalt  }
0x7e: {  	_ =	shalt  }
0x7f: {  	_ =	shalt  }
0x80: {  	_ =	shalt  }
0x81: {  	_ =	shalt  }
0x82: {  	_ =	shalt  }
0x83: {  	_ =	shalt  }
0x84: {  	_ =	shalt  }
0x85: {  	_ =	shalt  }
0x86: {  	_ =	shalt  }
0x87: {  	_ =	shalt  }
.Lfunc_end0:
.L_simem_size_0:
called_computation.1_lowered:
.L_overlay_start_0:
0x88: {  	s2 =	sld [smem:$0x3FD9]  }
0x89: {  	s3 =	sld [smem:$0x3FFE];
	_ =	sdelay $0x1  }
0x8a: {  	s1 =	srdreg.scid  }
0x8b: {  	s0 =	sand.u32 $0x1, s1  }
0x8c: {  	s14 =	sshll.u32 s0, $0xA;
	s2 =	sadd.s32 s3, s2  }
0x8d: {  	s2 =	sadd.s32 s2, s14  }
0x8e: {  	[smem:$0x3FC2] =	sst s2  }
0x8f: {  	_ = 	snop  }
0x90: {  	s2 =	sld [smem:$0x3FD0];
	_ =	sdelay $0x2  }
0x91: {  	s15 =	simm.s32 $0xA;
	s4 =	simm.s32 $0x10  }
0x92: {  	[smem:s4], [sflag:s15] =	dma.local [hbm:s2], $0x1  }
0x93: {  	_ =	swait.eq [sflag:s15], $0x1  }
0x94: {  	[sflag:s15] =	ssyncset.done $0x0  }
0x95: {  	[sflag:s15] =	ssyncadd.s32 $0xFFFFFFFF  }
0x96: {  	s16 =	sld [smem:$0x10];
	(tm) =	ssettm $0x1  }
0x97: {  	s17 =	sld [smem:$0x3FFB];
	_ =	sdelay $0x3  }
0x98: {  	_ =	strace s17  }
0x99: {  	s3 =	sld [smem:$0x3FFC];
	_ =	sdelay $0x3  }
0x9a: {  	_ =	strace s3  }
0x9b: {  	s3 =	sld [smem:$0x3FFD];
	_ =	sdelay $0x3  }
0x9c: {  	_ =	strace s3  }
0x9d: {  	_ =	strace $0x8FFFFFFF  }
0x9e: {  	s18 =	sld [smem:$0x3FDB];
	_ =	sdelay $0x1  }
0x9f: {  	s19 =	simm.s32 $_scs_section_size  }
0xa0: {  	s5 =	simm.s32 $_size__tile_overlayer_lowered;
	s6 =	simm.s32 $_tile_overlayer_lowered  }
0xa1: {  	s22 =	simm.s32 $0x1BFF;
	s21 =	sshll.u32 s6, $0x1;
	s3 =	sadd.s32 s19, s18  }
0xa2: {  	s7 =	simm.s32 $0x0;
	s20 =	sshll.u32 s5, $0x1;
	s5 =	sadd.s32 s21, s3  }
0xa3: {  	[timem:s7], [sflag:s22] =	dma.local [hbm:s5], s20  }
0xa4: {  	_ =	swait.ge [sflag:s22], s20  }
0xa5: {  	s4 =	ssub.s32 $0x0, s20;
	[sflag:s22] =	ssyncset.done $0x0  }
0xa6: {  	[sflag:s22] =	ssyncadd.s32 s4;
	_ =	sdelay $0x1  }
0xa7: {  	s23 =	simm.s32 $0x1B8B  }
0xa8: {  	_ =	swait.ge [sflag:s23], $0x1  }
0xa9: {  	[sflag:s23] =	ssyncset.done $0x0  }
0xaa: {  	s25 =	simm.s32 $0x1B8E;
	s24 =	sld [smem:$0x3FFE];
	[sflag:s23] =	ssyncadd.s32 $0xFFFFFFFF  }
0xab: {  	s26 =	simm.s32 $execute0_lowered;
	[smem:$0x3FD2] =	sst s25  }
0xac: {  	s5 =	sshll.u32 s26, $0x1;
	_ =	strace $0x80000049;
	[dreg:$0x1] =	wrdreg $0xFFFFFFFF  }
0xad: {  	s28 =	simm.s32 $_size_execute0_lowered;
	s3 =	sadd.s32 s3, s5;
	[dreg:$0x0] =	wrdreg $0x0  }
0xae: {  	s5 =	sshll.u32 s28, $0x1;
	[dreg:$0x2] =	wrdreg s3  }
0xaf: {  	[dreg:$0x3] =	wrdreg s5  }
0xb0: {  	[dreg:$0x4] =	wrdreg $0xC0  }
0xb1: {  	_ =	task [dreg:s7], $0x5FFFF  }
0xb2: {  	[dreg:$0x1] =	wrdreg $0xFFFFFFFF  }
0xb3: {  	[dreg:$0x0] =	wrdreg $0x60  }
0xb4: {  	[dreg:$0x2] =	wrdreg s16  }
0xb5: {  	[dreg:$0x3] =	wrdreg s24  }
0xb6: {  	[dreg:$0x4] =	wrdreg $0x9  }
0xb7: {  	_ =	task.clear_ibuf [dreg:s7], $0x5FFFF;
	_ =	strace $0x90000049  }
0xb8: {  	s29 =	simm.s32 $0x9;
	_ =	strace $0x8000004B  }
0xb9: {  	_ =	swait.ge [sflag:s29], $0x1  }
0xba: {  	[sflag:s29] =	ssyncadd.s32 $0xFFFFFFFF  }
0xbb: {  	_ =	strace $0x9000004B  }
0xbc: {  	_ =	sfence  }
0xbd: {  	s30 =	sld [smem:$0x0];
	_ =	sdelay $0x2  }
0xbe: {  	s31 =	sshll.u32 s1, $0xD;
	s1 =	sshrl.u32 s1, $0x2  }
0xbf: {  	s3 =	sand.u32 $0x4000, s31;
	s1 =	sadd.s32 s1, s30  }
0xc0: {  	s0 =	sor.u32 s3, s0;
	s1 =	sshll.u32 s1, $0x11  }
0xc1: {  	s0 =	sor.u32 s1, s0  }
0xc2: {  	s0 =	sadd.s32 $0x8F2B, s0  }
0xc3: {  	[sflag:s0] =	ssyncadd.remote.s32 $0x1  }
0xc4: {  	_ =	sfence.sel $0xFFFF  }
0xc5: {  	[dreg:$0x0] =	wrdreg $0xFFFFFFFF;
	(pc) =	sbr.abs _section_cstart, $3  }
0xc6: {  	[dreg:$0x1] =	wrdreg $0xFFFFFFFF  }
0xc7: {  	_ =	task.clear_ibuf [dreg:s7], $0x2FFFF;
	_ =	strace $0x9FFFFFFF  }
0xc8: {  	(tm) =	ssettm $0x7FFFFFFF  }
0xc9: {  	_ =	shalt  }
tec
execute0_lowered:
.L_overlay_start_1:
0x0: {  	(tag) =	ssettag $0x1  }
0x1: {  	s1 =	srdreg.scid  }
0x2: {  	s0 =	stileid.u32;
	s2 =	rddreg [dreg:$0x0]  }
0x3: {  	s5 =	rddreg [dreg:$0x1];
	s7 =	simm.s32 $0x80;
	s8 =	simm.s32 $0x880  }
0x4: {  	s9 =	simm.s32 $0x1080;
	s10 =	simm.s32 $0x1880;
	s11 =	simm.s32 $0x2080  }
0x5: {  	s23 =	simm.s32 $0x4880;
	s12 =	simm.s32 $0x2880;
	s24 =	simm.s32 $0x5080  }
0x6: {  	s13 =	simm.s32 $0x3080;
	s25 =	simm.s32 $0x5880;
	s14 =	simm.s32 $0x3880  }
0x7: {  	s26 =	simm.s32 $0x6080;
	s15 =	simm.s32 $0x4080;
	s17 =	simm.s32 $0x7080  }
0x8: {  	s28 =	simm.s32 $0xB880;
	s29 =	simm.s32 $0x2;
	s1 =	sand.u32 $0x1, s1  }
0x9: {  	s30 =	simm.s32 $0x4;
	s3 =	sshll.u32 s0, $0x8;
	s4 =	sshll.u32 s1, $0x7  }
0xa: {  	s1 =	ssub.s32 $0x2, s1;
	s4 =	sor.u32 s4, s3;
	s3 =	simm.s32 $0x0  }
0xb: {  	s31 =	simm.s32 $0x3;
	s20 =	sshrl.u32 s1, $0x1;
	[smem:$0x7FF] =	sst s3  }
0xc: {  	s6 =	sshrl.u32 s4, $0x3;
	_ =	strace $0x8000004A;
	[dreg:$0x8] =	wrdreg s23  }
0xd: {  	s4 =	sshll.u32 s4, $0x6;
	s1 =	ssub.s32 s1, s20;
	[dreg:$0x9] =	wrdreg s24  }
0xe: {  	s20 =	simm.s32 $0x8080;
	s6 =	sadd.s32 s6, s5;
	[dreg:$0xa] =	wrdreg s25  }
0xf: {  	s5 =	sadd.s32 s4, s5;
	[dreg:$0xb] =	wrdreg s26;
	s18 =	sadd.s32 $0x83200, s6  }
0x10: {  	s4 =	sadd.s32 $0x100, s2;
	s19 =	sadd.s32 $0xA00, s5;
	[dreg:$0x3] =	wrdreg s18  }
0x11: {  	s23 =	simm.s32 $0x9880;
	s21 =	sadd.s32 $0x1200, s5;
	[dreg:$0x4] =	wrdreg s19  }
0x12: {  	s24 =	simm.s32 $0xA080;
	s22 =	sadd.s32 $0x1A00, s5;
	[dreg:$0x5] =	wrdreg s21  }
0x13: {  	s25 =	simm.s32 $0xA880;
	s5 =	sadd.s32 $0x2200, s5;
	[dreg:$0x6] =	wrdreg s22  }
0x14: {  	v2 =	vlaneseq.u32;
	s26 =	simm.s32 $0xB080;
	s6 =	simm.s32 $0x6;
	[dreg:$0x7] =	wrdreg s5  }
0x15: {  	vm0 =	vmmov $0xffff;
	v1 =	vshrl.u32 v2, $0x3;
	s5 =	smax.u32 s1, $0x1;
	s18 =	simm.s32 $0x7880;
	s19 =	simm.s32 $0x1  }
0x16: {  	v0 =	vand.u32 $0x7, v2;
	v2 =	vor.u32 $0x8, v2;
	v1 =	vmul.u32 $0x8, v1;
	s21 =	simm.s32 $0x8880;
	s22 =	simm.s32 $0x9080;
	s1 =	simm.s32 $0x5  }
.LBB2_1:
0x17: {  	s0 =	rddreg [dreg:$0x3]  }
0x18: {  	[tilespmem:s3], [sflag:$0x6] =	stream.linear.gather [hbm4b:s0+s3], $0x80, $0x38;
	[tilespmem:$0xC080] =	vst v63  }
0x19: {  	_ =	swait.ge [sflag:s6], $0x80  }
0x1a: {  	[sflag:s6] =	ssyncset.done $0x0  }
0x1b: {  	[sflag:s6] =	ssyncadd.s32 $0xFFFFFF80  }
0x1c: {  	v3 =	vld [tilespmem:$0x0];
	_ =	sdelay $0x4  }
0x1d: {  	v4 =	vshll.u32 v3, $0x2  }
0x1e: {  	v3 =	vand.u32 $0x7, v3;
	v4 =	vand.u32 $0xFFFFFFE0, v4  }
0x1f: {  	v3 =	vor.u32 v3, v4  }
0x20: {  	v4 =	vperm.xlane v3, v0;
	_ =	sdelay $0x1  }
0x21: {  	v4 =	vadd.s32 v1, v4;
	_ =	sdelay $0x1  }
0x22: {  	v3 =	vperm.xlane v3, v2;
	_ =	sdelay $0x1  }
0x23: {  	v3 =	vadd.s32 v1, v3  }
0x24: {  	[tilespmem:s7], [sflag:$0x1] =	stream.indirect_vreg.gather [hbm4b:s2+s3], $0x80, v4, vm0, $0xb8;
	[tilespmem:$0xC080] =	vst v63  }
0x25: {  	_ = 	snop  }
0x26: {  	[tilespmem:s8], [sflag:$0x1] =	stream.indirect_vreg.gather [hbm4b:s4+s3], $0x80, v4, vm0, $0xb8;
	[tilespmem:$0xC080] =	vst v63  }
0x27: {  	_ = 	snop  }
0x28: {  	[tilespmem:s9], [sflag:$0x1] =	stream.indirect_vreg.gather [hbm4b:s2+s3], $0x80, v3, vm0, $0xb8;
	[tilespmem:$0xC080] =	vst v63  }
0x29: {  	_ = 	snop  }
0x2a: {  	[tilespmem:s10], [sflag:$0x1] =	stream.indirect_vreg.gather [hbm4b:s4+s3], $0x80, v3, vm0, $0xb8;
	[tilespmem:$0xC080] =	vst v63  }
0x2b: {  	v3 =	vld [tilespmem:$0x10];
	_ =	sdelay $0x4  }
0x2c: {  	v57 =	vshll.u32 v3, $0x2  }
0x2d: {  	v3 =	vand.u32 $0x7, v3;
	v4 =	vand.u32 $0xFFFFFFE0, v57  }
0x2e: {  	v3 =	vor.u32 v3, v4  }
0x2f: {  	v4 =	vperm.xlane v3, v0;
	_ =	sdelay $0x1  }
0x30: {  	v4 =	vadd.s32 v1, v4;
	_ =	sdelay $0x1  }
0x31: {  	v3 =	vperm.xlane v3, v2;
	_ =	sdelay $0x1  }
0x32: {  	v3 =	vadd.s32 v1, v3  }
0x33: {  	[tilespmem:s11], [sflag:$0x1] =	stream.indirect_vreg.gather [hbm4b:s2+s3], $0x80, v4, vm0, $0xb8;
	[tilespmem:$0xC080] =	vst v63  }
0x34: {  	_ = 	snop  }
0x35: {  	[tilespmem:s12], [sflag:$0x1] =	stream.indirect_vreg.gather [hbm4b:s4+s3], $0x80, v4, vm0, $0xb8;
	[tilespmem:$0xC080] =	vst v63  }
0x36: {  	_ = 	snop  }
0x37: {  	[tilespmem:s13], [sflag:$0x1] =	stream.indirect_vreg.gather [hbm4b:s2+s3], $0x80, v3, vm0, $0xb8;
	[tilespmem:$0xC080] =	vst v63  }
0x38: {  	_ = 	snop  }
0x39: {  	[tilespmem:s14], [sflag:$0x1] =	stream.indirect_vreg.gather [hbm4b:s4+s3], $0x80, v3, vm0, $0xb8;
	[tilespmem:$0xC080] =	vst v63  }
0x3a: {  	v3 =	vld [tilespmem:$0x20];
	_ =	sdelay $0x4  }
0x3b: {  	v58 =	vshll.u32 v3, $0x2  }
0x3c: {  	v3 =	vand.u32 $0x7, v3;
	v4 =	vand.u32 $0xFFFFFFE0, v58  }
0x3d: {  	v3 =	vor.u32 v3, v4  }
0x3e: {  	v4 =	vperm.xlane v3, v0;
	_ =	sdelay $0x1  }
0x3f: {  	v4 =	vadd.s32 v1, v4;
	_ =	sdelay $0x1  }
0x40: {  	v3 =	vperm.xlane v3, v2;
	_ =	sdelay $0x1  }
0x41: {  	v3 =	vadd.s32 v1, v3  }
0x42: {  	[tilespmem:s15], [sflag:$0x2] =	stream.indirect_vreg.gather [hbm4b:s2+s3], $0x80, v4, vm0, $0xb8;
	[tilespmem:$0xC080] =	vst v63  }
0x43: {  	s0 =	rddreg [dreg:$0x8]  }
0x44: {  	[tilespmem:s0], [sflag:$0x2] =	stream.indirect_vreg.gather [hbm4b:s4+s3], $0x80, v4, vm0, $0xb8;
	[tilespmem:$0xC080] =	vst v63  }
0x45: {  	s16 =	rddreg [dreg:$0x9]  }
0x46: {  	[tilespmem:s16], [sflag:$0x2] =	stream.indirect_vreg.gather [hbm4b:s2+s3], $0x80, v3, vm0, $0xb8;
	[tilespmem:$0xC080] =	vst v63  }
0x47: {  	s0 =	rddreg [dreg:$0xa]  }
0x48: {  	[tilespmem:s0], [sflag:$0x2] =	stream.indirect_vreg.gather [hbm4b:s4+s3], $0x80, v3, vm0, $0xb8;
	[tilespmem:$0xC080] =	vst v63  }
0x49: {  	v3 =	vld [tilespmem:$0x30];
	_ =	sdelay $0x4  }
0x4a: {  	v59 =	vshll.u32 v3, $0x2  }
0x4b: {  	v3 =	vand.u32 $0x7, v3;
	v4 =	vand.u32 $0xFFFFFFE0, v59  }
0x4c: {  	v3 =	vor.u32 v3, v4  }
0x4d: {  	v4 =	vperm.xlane v3, v0;
	_ =	sdelay $0x1  }
0x4e: {  	v4 =	vadd.s32 v1, v4;
	_ =	sdelay $0x1  }
0x4f: {  	v3 =	vperm.xlane v3, v2;
	_ =	sdelay $0x1  }
0x50: {  	s16 =	rddreg [dreg:$0xb];
	v3 =	vadd.s32 v1, v3  }
0x51: {  	[tilespmem:s16], [sflag:$0x2] =	stream.indirect_vreg.gather [hbm4b:s2+s3], $0x80, v4, vm0, $0xb8;
	[tilespmem:$0xC080] =	vst v63  }
0x52: {  	s16 =	simm.s32 $0x6880  }
0x53: {  	[tilespmem:s16], [sflag:$0x2] =	stream.indirect_vreg.gather [hbm4b:s4+s3], $0x80, v4, vm0, $0xb8;
	[tilespmem:$0xC080] =	vst v63  }
0x54: {  	_ = 	snop  }
0x55: {  	[tilespmem:s17], [sflag:$0x2] =	stream.indirect_vreg.gather [hbm4b:s2+s3], $0x80, v3, vm0, $0xb8;
	[tilespmem:$0xC080] =	vst v63  }
0x56: {  	_ = 	snop  }
0x57: {  	[tilespmem:s18], [sflag:$0x2] =	stream.indirect_vreg.gather [hbm4b:s4+s3], $0x80, v3, vm0, $0xb8;
	[tilespmem:$0xC080] =	vst v63  }
0x58: {  	_ =	swait.ge [sflag:s19], $0x4000  }
0x59: {  	[sflag:s19] =	ssyncset.done $0x0  }
0x5a: {  	s16 =	rddreg [dreg:$0x4];
	[sflag:s19] =	ssyncadd.s32 $0xFFFFC000  }
0x5b: {  	[hbm4b:s16+s3] =	stream.linear.scatter [tilespmem:s7], [sflag:$0x4], $0x4000, $0x38;
	[tilespmem:$0xC080] =	vst v63  }
0x5c: {  	v3 =	vld [tilespmem:$0x40];
	_ =	sdelay $0x4  }
0x5d: {  	v60 =	vshll.u32 v3, $0x2  }
0x5e: {  	v3 =	vand.u32 $0x7, v3;
	v4 =	vand.u32 $0xFFFFFFE0, v60  }
0x5f: {  	v3 =	vor.u32 v3, v4  }
0x60: {  	v4 =	vperm.xlane v3, v0;
	_ =	sdelay $0x1  }
0x61: {  	v4 =	vadd.s32 v1, v4;
	_ =	sdelay $0x1  }
0x62: {  	v3 =	vperm.xlane v3, v2;
	_ =	sdelay $0x1  }
0x63: {  	v3 =	vadd.s32 v1, v3  }
0x64: {  	[tilespmem:s20], [sflag:$0x3] =	stream.indirect_vreg.gather [hbm4b:s2+s3], $0x80, v4, vm0, $0xb8;
	[tilespmem:$0xC080] =	vst v63  }
0x65: {  	_ = 	snop  }
0x66: {  	[tilespmem:s21], [sflag:$0x3] =	stream.indirect_vreg.gather [hbm4b:s4+s3], $0x80, v4, vm0, $0xb8;
	[tilespmem:$0xC080] =	vst v63  }
0x67: {  	_ = 	snop  }
0x68: {  	[tilespmem:s22], [sflag:$0x3] =	stream.indirect_vreg.gather [hbm4b:s2+s3], $0x80, v3, vm0, $0xb8;
	[tilespmem:$0xC080] =	vst v63  }
0x69: {  	_ = 	snop  }
0x6a: {  	[tilespmem:s23], [sflag:$0x3] =	stream.indirect_vreg.gather [hbm4b:s4+s3], $0x80, v3, vm0, $0xb8;
	[tilespmem:$0xC080] =	vst v63  }
0x6b: {  	v3 =	vld [tilespmem:$0x50];
	_ =	sdelay $0x4  }
0x6c: {  	v61 =	vshll.u32 v3, $0x2  }
0x6d: {  	v3 =	vand.u32 $0x7, v3;
	v4 =	vand.u32 $0xFFFFFFE0, v61  }
0x6e: {  	v3 =	vor.u32 v3, v4  }
0x6f: {  	v4 =	vperm.xlane v3, v0;
	_ =	sdelay $0x1  }
0x70: {  	v4 =	vadd.s32 v1, v4;
	_ =	sdelay $0x1  }
0x71: {  	v3 =	vperm.xlane v3, v2;
	_ =	sdelay $0x1  }
0x72: {  	v3 =	vadd.s32 v1, v3  }
0x73: {  	[tilespmem:s24], [sflag:$0x3] =	stream.indirect_vreg.gather [hbm4b:s2+s3], $0x80, v4, vm0, $0xb8;
	[tilespmem:$0xC080] =	vst v63  }
0x74: {  	_ = 	snop  }
0x75: {  	[tilespmem:s25], [sflag:$0x3] =	stream.indirect_vreg.gather [hbm4b:s4+s3], $0x80, v4, vm0, $0xb8;
	[tilespmem:$0xC080] =	vst v63  }
0x76: {  	_ = 	snop  }
0x77: {  	[tilespmem:s26], [sflag:$0x3] =	stream.indirect_vreg.gather [hbm4b:s2+s3], $0x80, v3, vm0, $0xb8;
	[tilespmem:$0xC080] =	vst v63  }
0x78: {  	_ = 	snop  }
0x79: {  	[tilespmem:s28], [sflag:$0x3] =	stream.indirect_vreg.gather [hbm4b:s4+s3], $0x80, v3, vm0, $0xb8;
	[tilespmem:$0xC080] =	vst v63  }
0x7a: {  	_ =	swait.ge [sflag:s29], $0x4000  }
0x7b: {  	[sflag:s29] =	ssyncset.done $0x0  }
0x7c: {  	s16 =	rddreg [dreg:$0x5];
	[sflag:s29] =	ssyncadd.s32 $0xFFFFC000  }
0x7d: {  	[hbm4b:s16+s3] =	stream.linear.scatter [tilespmem:s15], [sflag:$0x5], $0x4000, $0x38;
	[tilespmem:$0xC080] =	vst v63  }
0x7e: {  	_ =	swait.ge [sflag:s30], $0x4000  }
0x7f: {  	[sflag:s30] =	ssyncset.done $0x0  }
0x80: {  	[sflag:s30] =	ssyncadd.s32 $0xFFFFC000  }
0x81: {  	v3 =	vld [tilespmem:$0x60];
	_ =	sdelay $0x4  }
0x82: {  	v62 =	vshll.u32 v3, $0x2  }
0x83: {  	v3 =	vand.u32 $0x7, v3;
	v4 =	vand.u32 $0xFFFFFFE0, v62  }
0x84: {  	v3 =	vor.u32 v3, v4  }
0x85: {  	v4 =	vperm.xlane v3, v0;
	_ =	sdelay $0x1  }
0x86: {  	v4 =	vadd.s32 v1, v4;
	_ =	sdelay $0x1  }
0x87: {  	v3 =	vperm.xlane v3, v2;
	_ =	sdelay $0x1  }
0x88: {  	v3 =	vadd.s32 v1, v3  }
0x89: {  	[tilespmem:s7], [sflag:$0x1] =	stream.indirect_vreg.gather [hbm4b:s2+s3], $0x80, v4, vm0, $0xb8;
	[tilespmem:$0xC080] =	vst v63  }
0x8a: {  	_ = 	snop  }
0x8b: {  	[tilespmem:s8], [sflag:$0x1] =	stream.indirect_vreg.gather [hbm4b:s4+s3], $0x80, v4, vm0, $0xb8;
	[tilespmem:$0xC080] =	vst v63  }
0x8c: {  	_ = 	snop  }
0x8d: {  	[tilespmem:s9], [sflag:$0x1] =	stream.indirect_vreg.gather [hbm4b:s2+s3], $0x80, v3, vm0, $0xb8;
	[tilespmem:$0xC080] =	vst v63  }
0x8e: {  	_ = 	snop  }
0x8f: {  	[tilespmem:s10], [sflag:$0x1] =	stream.indirect_vreg.gather [hbm4b:s4+s3], $0x80, v3, vm0, $0xb8;
	[tilespmem:$0xC080] =	vst v63  }
0x90: {  	v3 =	vld [tilespmem:$0x70];
	_ =	sdelay $0x4  }
0x91: {  	v63 =	vshll.u32 v3, $0x2  }
0x92: {  	v3 =	vand.u32 $0x7, v3;
	v4 =	vand.u32 $0xFFFFFFE0, v63  }
0x93: {  	v3 =	vor.u32 v3, v4  }
0x94: {  	v4 =	vperm.xlane v3, v0;
	_ =	sdelay $0x1  }
0x95: {  	v4 =	vadd.s32 v1, v4;
	_ =	sdelay $0x1  }
0x96: {  	v3 =	vperm.xlane v3, v2;
	_ =	sdelay $0x1  }
0x97: {  	v3 =	vadd.s32 v1, v3  }
0x98: {  	[tilespmem:s11], [sflag:$0x1] =	stream.indirect_vreg.gather [hbm4b:s2+s3], $0x80, v4, vm0, $0xb8;
	[tilespmem:$0xC080] =	vst v63  }
0x99: {  	_ = 	snop  }
0x9a: {  	[tilespmem:s12], [sflag:$0x1] =	stream.indirect_vreg.gather [hbm4b:s4+s3], $0x80, v4, vm0, $0xb8;
	[tilespmem:$0xC080] =	vst v63  }
0x9b: {  	_ = 	snop  }
0x9c: {  	[tilespmem:s13], [sflag:$0x1] =	stream.indirect_vreg.gather [hbm4b:s2+s3], $0x80, v3, vm0, $0xb8;
	[tilespmem:$0xC080] =	vst v63  }
0x9d: {  	_ = 	snop  }
0x9e: {  	[tilespmem:s14], [sflag:$0x1] =	stream.indirect_vreg.gather [hbm4b:s4+s3], $0x80, v3, vm0, $0xb8;
	[tilespmem:$0xC080] =	vst v63  }
0x9f: {  	_ =	swait.ge [sflag:s31], $0x4000  }
0xa0: {  	[sflag:s31] =	ssyncset.done $0x0  }
0xa1: {  	s16 =	rddreg [dreg:$0x6];
	[sflag:s31] =	ssyncadd.s32 $0xFFFFC000  }
0xa2: {  	[hbm4b:s16+s3] =	stream.linear.scatter [tilespmem:s20], [sflag:$0x4], $0x4000, $0x38;
	[tilespmem:$0xC080] =	vst v63  }
0xa3: {  	_ =	swait.ge [sflag:s19], $0x4000  }
0xa4: {  	[sflag:s19] =	ssyncset.done $0x0  }
0xa5: {  	s16 =	rddreg [dreg:$0x7];
	[sflag:s19] =	ssyncadd.s32 $0xFFFFC000  }
0xa6: {  	[hbm4b:s16+s3] =	stream.linear.scatter [tilespmem:s7], [sflag:$0x5], $0x4000, $0x38;
	[tilespmem:$0xC080] =	vst v63  }
0xa7: {  	_ =	swait.ge [sflag:s1], $0x4000  }
0xa8: {  	[sflag:s1] =	ssyncset.done $0x0  }
0xa9: {  	[sflag:s1] =	ssyncadd.s32 $0xFFFFC000  }
0xaa: {  	p0 =	sne.s32 s5, $0x1;
	_ =	swait.ge [sflag:s30], $0x4000  }
.Ltmp0:
0xab: {  	[sflag:s30] =	ssyncset.done $0x0;
	(pc) =	sbr.rel @p0 .LBB2_1-.Ltmp0, $4  }
0xac: {  	[sflag:s30] =	ssyncadd.s32 $0xFFFFC000  }
0xad: {  	_ =	swait.ge [sflag:s1], $0x4000  }
0xae: {  	[sflag:s1] =	ssyncset.done $0x0  }
0xaf: {  	s5 =	sadd.s32 $0xFFFFFFFF, s5;
	[sflag:s1] =	ssyncadd.s32 $0xFFFFC000  }
0xb0: {  	_ =	sfence.sel $0x180000  }
0xb1: {  	[bflag:$0x0] =	sbarrier.arrive $0xFFFF  }
0xb2: {  	_ =	strace $0x9000004A  }
0xb3: {  	s0 =	stileid.u32;
	[bflag:$0x2] =	sbarrier.arrive $0xFFFF  }
0xb4: {  	p0 =	sne.s32 s0, $0x0;
	s0 =	rddreg [dreg:$0x2]  }
0xb5: {  	s0 =	sadd.s32 @!p0 $0x100000, s0  }
0xb6: {  	[sflag:s0] =	ssyncadd.tile.s32 @!p0 $0x1;
	_ =	shalt  }
.Lfunc_end2:
_tile_overlayer_lowered:
.L_overlay_start_2:
0xb7: {  	(tag) =	ssettag $0x2  }
0xb8: {  	s0 =	rddreg [dreg:$0x0];
	s2 =	stileid.u32  }
0xb9: {  	s1 =	rddreg [dreg:$0x1];
	p0 =	sne.s32 s2, $0x0  }
0xba: {  	s3 =	rddreg [dreg:$0x2];
	[bflag:$0x3] =	sbarrier.arrive $0xFFFF;
	s2 =	simm.s32 @!p0 $0x1C06  }
0xbb: {  	[timem:s3], [sflag:s2] =	dma.local @!p0 [hbm:s0], s1  }
0xbc: {  	s0 =	simm.s32 @!p0 $0x6  }
0xbd: {  	_ =	swait.ge @!p0 [sflag:s0], s1  }
0xbe: {  	s1 =	ssub.s32 @!p0 $0x0, s1;
	[sflag:s0] =	ssyncset.done @!p0 $0x0  }
0xbf: {  	[sflag:s0] =	ssyncadd.s32 @!p0 s1  }
0xc0: {  	[bflag:$0x3] =	sbarrier.arrive $0xFFFF  }
0xc1: {  	_ =	shalt  }

// kernel: kernel.7.cloned.1.call-start
scs
__scs_entry_jumppad:
0x0: {  	(pc) =	sbr.rel $0x88, $3  }
0x1: {  	(tag) =	ssettag $0x0;
	lr =	simm.s32 $0x1  }
0x2: {  	[smem:$0x3F9B] =	sst lr;
	_ =	strace $0xD0000000  }
0x3: {  	_ = 	snop  }
0x4: {  	_ = 	snop  }
0x5: {  	_ = 	snop  }
0x6: {  	_ = 	snop  }
0x7: {  	_ = 	snop  }
__scs_overlays_trampoline_lowered:
0x8: {  	[smem:$0x3FAA] =	sst s0  }
0x9: {  	[smem:$0x3FAB] =	sst s1  }
0xa: {  	[smem:$0x3FAC] =	sst s2  }
0xb: {  	[smem:$0x3FAD] =	sst s3  }
0xc: {  	[smem:$0x3FAE] =	sst s4  }
0xd: {  	[smem:$0x3FAF] =	sst s5  }
0xe: {  	[smem:$0x3FB0] =	sst s6  }
0xf: {  	[smem:$0x3FB1] =	sst s7  }
0x10: {  	[smem:$0x3FB2] =	sst s8  }
0x11: {  	[smem:$0x3FB3] =	sst s9;
	s0 =	simm.s32 @!p0 $0x0  }
0x12: {  	s1 =	sld [smem:$0x3F99];
	s0 =	simm.s32 @p0 $0x1  }
0x13: {  	[smem:$0x3FB4] =	sst s0;
	s0 =	simm.s32 @!p1 $0x0  }
0x14: {  	s2 =	sld [smem:$0x3F98];
	s0 =	simm.s32 @p1 $0x1  }
0x15: {  	[smem:$0x3FB5] =	sst s0;
	s0 =	simm.s32 @!p2 $0x0  }
0x16: {  	s3 =	sld [smem:$0x3FDB];
	s0 =	simm.s32 @p2 $0x1  }
0x17: {  	s4 =	simm.s32 $0x1BF5;
	[smem:$0x3FB7] =	sst s0  }
0x18: {  	s0 =	sld [smem:$0x3F9A];
	_ =	swait.ge [sflag:s4], $0x0  }
0x19: {  	s7 =	sld [smem:$0x3F9B]  }
0x1a: {  	s8 =	sadd.s32 $0xFFFFE003, lr  }
0x1b: {  	s9 =	sadd.s32 $0xFFFFFEF7, lr;
	s5 =	simm.s32 $0xFFFFFFFF;
	p2 =	slt.u32 s8, $0xFFFFF086  }
0x1c: {  	p1 =	slt.u32 s9, $0xF7A;
	s5 =	simm.s32 @!p2 $0x0  }
0x1d: {  	s5 =	simm.s32 @p1 $0x1;
	p0 =	seq.s32 s7, s2  }
0x1e: {  	s7 =	smul.u32 @!p0 $0xF7A, s2;
	p2 =	seq.s32 @!p0 s5, $0x0  }
0x1f: {  	s9 =	smul.u32 $0xF7A, s1;
	s8 =	simm.s32 @!p0 $0x1BF5;
	p2 =	por !p2, p0  }
0x20: {  	[sflag:s8] =	ssyncset.s32 @!p0 $0xFFFFF086;
	s6 =	sadd.s32 @!p0 s3, s7;
	s7 =	simm.s32 @!p0 $0x108  }
0x21: {  	s3 =	sadd.s32 s3, s9;
	s6 =	sadd.s32 @!p0 $0x88, s6;
	s7 =	simm.s32 @p2 $0x1082  }
0x22: {  	[simem:s7], [sflag:s8] =	dma.local @!p0 [hbm:s6], $0xF7A  }
0x23: {  	s9 =	sor.u32 $0xD0000000, s2;
	s6 =	simm.s32 $0x108;
	_ =	swait.ge @!p0 [sflag:s8], $0x0  }
0x24: {  	s3 =	sadd.s32 $0x88, s3;
	s6 =	simm.s32 @!p1 $0x1082;
	[sflag:s4] =	ssyncset.s32 $0xFFFFF086  }
0x25: {  	[simem:s6], [sflag:s4] =	dma.local [hbm:s3], $0xF7A  }
0x26: {  	[smem:$0x3F9B] =	sst s1;
	(tag) =	ssettag s2;
	_ =	strace s9  }
0x27: {  	s1 =	sld [smem:$0x3FAB]  }
0x28: {  	s2 =	sld [smem:$0x3FAC]  }
0x29: {  	s4 =	sld [smem:$0x3FAE]  }
0x2a: {  	p0 =	seq.s32 s5, $0x0;
	s5 =	sld [smem:$0x3FAF]  }
0x2b: {  	s6 =	sld [smem:$0x3FB0]  }
0x2c: {  	s7 =	sld [smem:$0x3FB1]  }
0x2d: {  	s3 =	simm.s32 $0x108;
	s8 =	sld [smem:$0x3FB2]  }
0x2e: {  	s3 =	simm.s32 @!p0 $0x1082;
	s9 =	sld [smem:$0x3FB3]  }
0x2f: {  	lr =	sadd.s32 s0, s3;
	s0 =	sld [smem:$0x3FAA]  }
0x30: {  	s3 =	sld [smem:$0x3FAD]  }
0x31: {  	[smem:$0x3FB6] =	sst s10  }
0x32: {  	s10 =	sld [smem:$0x3FB4];
	_ =	sdelay $0x3  }
0x33: {  	p0 =	seq.s32 s10, $0x1;
	s10 =	sld [smem:$0x3FB6];
	_ =	sdelay $0x3  }
0x34: {  	[smem:$0x3FB6] =	sst s10  }
0x35: {  	s10 =	sld [smem:$0x3FB5];
	_ =	sdelay $0x3  }
0x36: {  	p1 =	seq.s32 s10, $0x1;
	s10 =	sld [smem:$0x3FB6];
	_ =	sdelay $0x3  }
0x37: {  	[smem:$0x3FB6] =	sst s10  }
0x38: {  	s10 =	sld [smem:$0x3FB7]  }
0x39: {  	_ = 	snop;
	(pc) =	sbr.ind lr, $3  }
0x3a: {  	_ = 	snop  }
0x3b: {  	_ = 	snop  }
0x3c: {  	p2 =	seq.s32 s10, $0x1;
	s10 =	sld [smem:$0x3FB6]  }
0x3d: {  	_ =	shalt  }
0x3e: {  	_ =	shalt  }
0x3f: {  	_ =	shalt  }
0x40: {  	_ =	shalt  }
0x41: {  	_ =	shalt  }
0x42: {  	_ =	shalt  }
0x43: {  	_ =	shalt  }
0x44: {  	_ =	shalt  }
0x45: {  	_ =	shalt  }
0x46: {  	_ =	shalt  }
0x47: {  	_ =	shalt  }
0x48: {  	_ =	shalt  }
0x49: {  	_ =	shalt  }
0x4a: {  	_ =	shalt  }
0x4b: {  	_ =	shalt  }
0x4c: {  	_ =	shalt  }
0x4d: {  	_ =	shalt  }
0x4e: {  	_ =	shalt  }
0x4f: {  	_ =	shalt  }
0x50: {  	_ =	shalt  }
0x51: {  	_ =	shalt  }
0x52: {  	_ =	shalt  }
0x53: {  	_ =	shalt  }
0x54: {  	_ =	shalt  }
0x55: {  	_ =	shalt  }
0x56: {  	_ =	shalt  }
0x57: {  	_ =	shalt  }
0x58: {  	_ =	shalt  }
0x59: {  	_ =	shalt  }
0x5a: {  	_ =	shalt  }
0x5b: {  	_ =	shalt  }
0x5c: {  	_ =	shalt  }
0x5d: {  	_ =	shalt  }
0x5e: {  	_ =	shalt  }
0x5f: {  	_ =	shalt  }
0x60: {  	_ =	shalt  }
0x61: {  	_ =	shalt  }
0x62: {  	_ =	shalt  }
0x63: {  	_ =	shalt  }
0x64: {  	_ =	shalt  }
0x65: {  	_ =	shalt  }
0x66: {  	_ =	shalt  }
0x67: {  	_ =	shalt  }
0x68: {  	_ =	shalt  }
0x69: {  	_ =	shalt  }
0x6a: {  	_ =	shalt  }
0x6b: {  	_ =	shalt  }
0x6c: {  	_ =	shalt  }
0x6d: {  	_ =	shalt  }
0x6e: {  	_ =	shalt  }
0x6f: {  	_ =	shalt  }
0x70: {  	_ =	shalt  }
0x71: {  	_ =	shalt  }
0x72: {  	_ =	shalt  }
0x73: {  	_ =	shalt  }
0x74: {  	_ =	shalt  }
0x75: {  	_ =	shalt  }
0x76: {  	_ =	shalt  }
0x77: {  	_ =	shalt  }
0x78: {  	_ =	shalt  }
0x79: {  	_ =	shalt  }
0x7a: {  	_ =	shalt  }
0x7b: {  	_ =	shalt  }
0x7c: {  	_ =	shalt  }
0x7d: {  	_ =	shalt  }
0x7e: {  	_ =	shalt  }
0x7f: {  	_ =	shalt  }
0x80: {  	_ =	shalt  }
0x81: {  	_ =	shalt  }
0x82: {  	_ =	shalt  }
0x83: {  	_ =	shalt  }
0x84: {  	_ =	shalt  }
0x85: {  	_ =	shalt  }
0x86: {  	_ =	shalt  }
0x87: {  	_ =	shalt  }
.Lfunc_end0:
.L_simem_size_0:
called_computation_lowered:
.L_overlay_start_0:
0x88: {  	s2 =	sld [smem:$0x3FD9]  }
0x89: {  	s3 =	sld [smem:$0x3FFE];
	_ =	sdelay $0x1  }
0x8a: {  	s1 =	srdreg.scid  }
0x8b: {  	s0 =	sand.u32 $0x1, s1  }
0x8c: {  	s14 =	sshll.u32 s0, $0xA;
	s2 =	sadd.s32 s3, s2  }
0x8d: {  	s2 =	sadd.s32 s2, s14  }
0x8e: {  	[smem:$0x3FC2] =	sst s2  }
0x8f: {  	_ = 	snop  }
0x90: {  	s2 =	sld [smem:$0x3FD0];
	_ =	sdelay $0x2  }
0x91: {  	s15 =	simm.s32 $0xA;
	s4 =	simm.s32 $0x10  }
0x92: {  	[smem:s4], [sflag:s15] =	dma.local [hbm:s2], $0x1  }
0x93: {  	_ =	swait.eq [sflag:s15], $0x1  }
0x94: {  	[sflag:s15] =	ssyncset.done $0x0  }
0x95: {  	[sflag:s15] =	ssyncadd.s32 $0xFFFFFFFF  }
0x96: {  	s16 =	sld [smem:$0x10];
	(tm) =	ssettm $0x1  }
0x97: {  	s17 =	sld [smem:$0x3FFB];
	_ =	sdelay $0x3  }
0x98: {  	_ =	strace s17  }
0x99: {  	s3 =	sld [smem:$0x3FFC];
	_ =	sdelay $0x3  }
0x9a: {  	_ =	strace s3  }
0x9b: {  	s3 =	sld [smem:$0x3FFD];
	_ =	sdelay $0x3  }
0x9c: {  	_ =	strace s3  }
0x9d: {  	_ =	strace $0x8FFFFFFF  }
0x9e: {  	s18 =	sld [smem:$0x3FDB];
	_ =	sdelay $0x1  }
0x9f: {  	s19 =	simm.s32 $_scs_section_size  }
0xa0: {  	s5 =	simm.s32 $_size__tile_overlayer_lowered;
	s6 =	simm.s32 $_tile_overlayer_lowered  }
0xa1: {  	s22 =	simm.s32 $0x1BFF;
	s21 =	sshll.u32 s6, $0x1;
	s3 =	sadd.s32 s19, s18  }
0xa2: {  	s7 =	simm.s32 $0x0;
	s20 =	sshll.u32 s5, $0x1;
	s5 =	sadd.s32 s21, s3  }
0xa3: {  	[timem:s7], [sflag:s22] =	dma.local [hbm:s5], s20  }
0xa4: {  	_ =	swait.ge [sflag:s22], s20  }
0xa5: {  	s4 =	ssub.s32 $0x0, s20;
	[sflag:s22] =	ssyncset.done $0x0  }
0xa6: {  	[sflag:s22] =	ssyncadd.s32 s4;
	_ =	sdelay $0x1  }
0xa7: {  	s23 =	simm.s32 $0x1B8B  }
0xa8: {  	_ =	swait.ge [sflag:s23], $0x1  }
0xa9: {  	[sflag:s23] =	ssyncset.done $0x0  }
0xaa: {  	s25 =	simm.s32 $0x1B8E;
	s24 =	sld [smem:$0x3FFE];
	[sflag:s23] =	ssyncadd.s32 $0xFFFFFFFF  }
0xab: {  	s26 =	simm.s32 $execute0_lowered;
	[smem:$0x3FD2] =	sst s25  }
0xac: {  	s5 =	sshll.u32 s26, $0x1;
	_ =	strace $0x80000046;
	[dreg:$0x1] =	wrdreg $0xFFFFFFFF  }
0xad: {  	s28 =	simm.s32 $_size_execute0_lowered;
	s3 =	sadd.s32 s3, s5;
	[dreg:$0x0] =	wrdreg $0x0  }
0xae: {  	s5 =	sshll.u32 s28, $0x1;
	[dreg:$0x2] =	wrdreg s3  }
0xaf: {  	[dreg:$0x3] =	wrdreg s5  }
0xb0: {  	[dreg:$0x4] =	wrdreg $0xC0  }
0xb1: {  	_ =	task [dreg:s7], $0x5FFFF  }
0xb2: {  	[dreg:$0x1] =	wrdreg $0xFFFFFFFF  }
0xb3: {  	[dreg:$0x0] =	wrdreg $0x60  }
0xb4: {  	[dreg:$0x2] =	wrdreg s16  }
0xb5: {  	[dreg:$0x3] =	wrdreg s24  }
0xb6: {  	[dreg:$0x4] =	wrdreg $0x9  }
0xb7: {  	_ =	task.clear_ibuf [dreg:s7], $0x5FFFF;
	_ =	strace $0x90000046  }
0xb8: {  	s29 =	simm.s32 $0x9;
	_ =	strace $0x80000048  }
0xb9: {  	_ =	swait.ge [sflag:s29], $0x1  }
0xba: {  	[sflag:s29] =	ssyncadd.s32 $0xFFFFFFFF  }
0xbb: {  	_ =	strace $0x90000048  }
0xbc: {  	_ =	sfence  }
0xbd: {  	s30 =	sld [smem:$0x0];
	_ =	sdelay $0x2  }
0xbe: {  	s31 =	sshll.u32 s1, $0xD;
	s1 =	sshrl.u32 s1, $0x2  }
0xbf: {  	s3 =	sand.u32 $0x4000, s31;
	s1 =	sadd.s32 s1, s30  }
0xc0: {  	s0 =	sor.u32 s3, s0;
	s1 =	sshll.u32 s1, $0x11  }
0xc1: {  	s0 =	sor.u32 s1, s0  }
0xc2: {  	s0 =	sadd.s32 $0x8F2B, s0  }
0xc3: {  	[sflag:s0] =	ssyncadd.remote.s32 $0x1  }
0xc4: {  	_ =	sfence.sel $0xFFFF  }
0xc5: {  	[dreg:$0x0] =	wrdreg $0xFFFFFFFF;
	(pc) =	sbr.abs _section_cstart, $3  }
0xc6: {  	[dreg:$0x1] =	wrdreg $0xFFFFFFFF  }
0xc7: {  	_ =	task.clear_ibuf [dreg:s7], $0x2FFFF;
	_ =	strace $0x9FFFFFFF  }
0xc8: {  	(tm) =	ssettm $0x7FFFFFFF  }
0xc9: {  	_ =	shalt  }
tec
execute0_lowered:
.L_overlay_start_1:
0x0: {  	(tag) =	ssettag $0x1  }
0x1: {  	s0 =	rddreg [dreg:$0x0]  }
0x2: {  	s5 =	rddreg [dreg:$0x1]  }
0x3: {  	s2 =	srdreg.scid;
	s1 =	stileid.u32  }
0x4: {  	s9 =	simm.s32 $0x1;
	s19 =	simm.s32 $0x80;
	s20 =	simm.s32 $0x4A00  }
0x5: {  	s21 =	simm.s32 $0x5200;
	s22 =	simm.s32 $0x5A00;
	s23 =	simm.s32 $0x6200  }
0x6: {  	s24 =	simm.s32 $0x6A00;
	s25 =	simm.s32 $0x7200;
	s26 =	simm.s32 $0x7A00  }
0x7: {  	s28 =	simm.s32 $0xAA00;
	s6 =	sand.u32 $0x1, s2;
	s2 =	simm.s32 $0x0  }
0x8: {  	s29 =	simm.s32 $0xB200;
	s30 =	simm.s32 $0xBA00;
	[smem:$0x7FF] =	sst s2  }
0x9: {  	s31 =	simm.s32 $0x5;
	_ =	strace $0x80000047;
	[dreg:$0xa] =	wrdreg s19  }
0xa: {  	s3 =	sshll.u32 s1, $0xE;
	s8 =	sshll.u32 s1, $0x7;
	[dreg:$0xb] =	wrdreg s20  }
0xb: {  	s4 =	sshll.u32 s6, $0xD;
	s7 =	sshll.u32 s6, $0x6;
	[dreg:$0xc] =	wrdreg s21  }
0xc: {  	s6 =	ssub.s32 $0x2, s6;
	s3 =	sor.u32 s4, s3;
	[dreg:$0xd] =	wrdreg s22  }
0xd: {  	s10 =	sor.u32 s7, s8;
	s4 =	sadd.s32 $0x1200, s5;
	[dreg:$0xe] =	wrdreg s23  }
0xe: {  	s18 =	sshrl.u32 s6, $0x1;
	s7 =	simm.s32 $0x200;
	[dreg:$0xf] =	wrdreg s24  }
0xf: {  	s8 =	simm.s32 $0x4200;
	[dreg:$0x10] =	wrdreg s25;
	s19 =	simm.s32 $0x2  }
0x10: {  	[dreg:$0x11] =	wrdreg s26;
	s20 =	simm.s32 $0x4;
	s21 =	simm.s32 $0x3  }
0x11: {  	s23 =	simm.s32 $0x8A00;
	s24 =	simm.s32 $0x9200;
	s3 =	sadd.s32 s0, s3  }
0x12: {  	s25 =	simm.s32 $0x9A00;
	s11 =	sadd.s32 s10, s5;
	s12 =	sadd.s32 $0x800, s3  }
0x13: {  	s26 =	simm.s32 $0xA200;
	s13 =	sadd.s32 $0xA00, s11;
	[dreg:$0x3] =	wrdreg s12  }
0x14: {  	s6 =	ssub.s32 s6, s18;
	s14 =	sadd.s32 $0x1000, s3;
	[dreg:$0x4] =	wrdreg s13  }
0x15: {  	s5 =	sadd.s32 $0x1300, s5;
	s15 =	sadd.s32 $0xA10, s11;
	[dreg:$0x5] =	wrdreg s14  }
0x16: {  	s10 =	simm.s32 $0x7;
	s16 =	sadd.s32 $0x1800, s3;
	[dreg:$0x6] =	wrdreg s15  }
0x17: {  	s18 =	simm.s32 $0x8200;
	s17 =	sadd.s32 $0xA20, s11;
	[dreg:$0x7] =	wrdreg s16  }
0x18: {  	s0 =	sadd.s32 $0xA30, s11;
	s6 =	smax.u32 s6, $0x1;
	[dreg:$0x8] =	wrdreg s17  }
0x19: {  	v2 =	vlaneseq.u32;
	s11 =	simm.s32 $0xA00;
	[dreg:$0x9] =	wrdreg s0;
	s12 =	simm.s32 $0x1200  }
0x1a: {  	vm0 =	vmmov $0xffff;
	v1 =	vshrl.u32 v2, $0x3;
	s13 =	simm.s32 $0x1A00;
	s14 =	simm.s32 $0x2200;
	s15 =	simm.s32 $0x2A00  }
0x1b: {  	v0 =	vand.u32 $0x7, v2;
	v2 =	vor.u32 $0x8, v2;
	v1 =	vmul.u32 $0x8, v1;
	s16 =	simm.s32 $0x3200;
	s17 =	simm.s32 $0x3A00;
	s0 =	simm.s32 $0x6  }
.LBB2_1:
0x1c: {  	[tilespmem:s7], [sflag:$0x1] =	stream.linear.gather [hbm4b:s3+s2], $0x4000, $0x38;
	[tilespmem:$0xC200] =	vst v63  }
0x1d: {  	s1 =	rddreg [dreg:$0x3]  }
0x1e: {  	[tilespmem:s8], [sflag:$0x2] =	stream.linear.gather [hbm4b:s1+s2], $0x4000, $0x38;
	[tilespmem:$0xC200] =	vst v63  }
0x1f: {  	_ =	swait.ge [sflag:s9], $0x4000  }
0x20: {  	[sflag:s9] =	ssyncset.done $0x0  }
0x21: {  	s22 =	rddreg [dreg:$0x4];
	[sflag:s9] =	ssyncadd.s32 $0xFFFFC000  }
0x22: {  	[tilespmem:s2], [sflag:$0x7] =	stream.linear.gather [hbm4b:s22+s2], $0x80, $0x38;
	[tilespmem:$0xC200] =	vst v63  }
0x23: {  	_ =	swait.ge [sflag:s10], $0x80  }
0x24: {  	[sflag:s10] =	ssyncset.done $0x0  }
0x25: {  	[sflag:s10] =	ssyncadd.s32 $0xFFFFFF80  }
0x26: {  	v3 =	vld [tilespmem:$0x0];
	_ =	sdelay $0x4  }
0x27: {  	v4 =	vshll.u32 v3, $0x2  }
0x28: {  	v3 =	vand.u32 $0x7, v3;
	v4 =	vand.u32 $0xFFFFFFE0, v4  }
0x29: {  	v3 =	vor.u32 v3, v4  }
0x2a: {  	v4 =	vperm.xlane v3, v0;
	_ =	sdelay $0x1  }
0x2b: {  	v4 =	vadd.s32 v1, v4;
	_ =	sdelay $0x1  }
0x2c: {  	v3 =	vperm.xlane v3, v2;
	_ =	sdelay $0x1  }
0x2d: {  	v3 =	vadd.s32 v1, v3  }
0x2e: {  	[hbm4b:s4+s2] =	stream.indirect_vreg.scatter [tilespmem:s7], [sflag:$0x4], $0x80, v4, vm0, $0xb8;
	[tilespmem:$0xC200] =	vst v63  }
0x2f: {  	_ = 	snop  }
0x30: {  	[hbm4b:s5+s2] =	stream.indirect_vreg.scatter [tilespmem:s11], [sflag:$0x4], $0x80, v4, vm0, $0xb8;
	[tilespmem:$0xC200] =	vst v63  }
0x31: {  	_ = 	snop  }
0x32: {  	[hbm4b:s4+s2] =	stream.indirect_vreg.scatter [tilespmem:s12], [sflag:$0x4], $0x80, v3, vm0, $0xb8;
	[tilespmem:$0xC200] =	vst v63  }
0x33: {  	_ = 	snop  }
0x34: {  	[hbm4b:s5+s2] =	stream.indirect_vreg.scatter [tilespmem:s13], [sflag:$0x4], $0x80, v3, vm0, $0xb8;
	[tilespmem:$0xC200] =	vst v63  }
0x35: {  	v3 =	vld [tilespmem:$0x10];
	_ =	sdelay $0x4  }
0x36: {  	v57 =	vshll.u32 v3, $0x2  }
0x37: {  	v3 =	vand.u32 $0x7, v3;
	v4 =	vand.u32 $0xFFFFFFE0, v57  }
0x38: {  	v3 =	vor.u32 v3, v4  }
0x39: {  	v4 =	vperm.xlane v3, v0;
	_ =	sdelay $0x1  }
0x3a: {  	v4 =	vadd.s32 v1, v4;
	_ =	sdelay $0x1  }
0x3b: {  	v3 =	vperm.xlane v3, v2;
	_ =	sdelay $0x1  }
0x3c: {  	v3 =	vadd.s32 v1, v3  }
0x3d: {  	[hbm4b:s4+s2] =	stream.indirect_vreg.scatter [tilespmem:s14], [sflag:$0x4], $0x80, v4, vm0, $0xb8;
	[tilespmem:$0xC200] =	vst v63  }
0x3e: {  	_ = 	snop  }
0x3f: {  	[hbm4b:s5+s2] =	stream.indirect_vreg.scatter [tilespmem:s15], [sflag:$0x4], $0x80, v4, vm0, $0xb8;
	[tilespmem:$0xC200] =	vst v63  }
0x40: {  	_ = 	snop  }
0x41: {  	[hbm4b:s4+s2] =	stream.indirect_vreg.scatter [tilespmem:s16], [sflag:$0x4], $0x80, v3, vm0, $0xb8;
	[tilespmem:$0xC200] =	vst v63  }
0x42: {  	_ = 	snop  }
0x43: {  	[hbm4b:s5+s2] =	stream.indirect_vreg.scatter [tilespmem:s17], [sflag:$0x4], $0x80, v3, vm0, $0xb8;
	[tilespmem:$0xC200] =	vst v63  }
0x44: {  	s22 =	rddreg [dreg:$0x5]  }
0x45: {  	[tilespmem:s18], [sflag:$0x3] =	stream.linear.gather [hbm4b:s22+s2], $0x4000, $0x38;
	[tilespmem:$0xC200] =	vst v63  }
0x46: {  	_ =	swait.ge [sflag:s19], $0x4000  }
0x47: {  	s1 =	rddreg [dreg:$0x6];
	[sflag:s19] =	ssyncset.done $0x0  }
0x48: {  	s22 =	rddreg [dreg:$0xa];
	[sflag:s19] =	ssyncadd.s32 $0xFFFFC000  }
0x49: {  	[tilespmem:s22], [sflag:$0x7] =	stream.linear.gather [hbm4b:s1+s2], $0x80, $0x38;
	[tilespmem:$0xC200] =	vst v63  }
0x4a: {  	_ =	swait.ge [sflag:s10], $0x80  }
0x4b: {  	[sflag:s10] =	ssyncset.done $0x0  }
0x4c: {  	[sflag:s10] =	ssyncadd.s32 $0xFFFFFF80  }
0x4d: {  	v3 =	vld [tilespmem:$0x80];
	_ =	sdelay $0x4  }
0x4e: {  	v58 =	vshll.u32 v3, $0x2  }
0x4f: {  	v3 =	vand.u32 $0x7, v3;
	v4 =	vand.u32 $0xFFFFFFE0, v58  }
0x50: {  	v3 =	vor.u32 v3, v4  }
0x51: {  	v4 =	vperm.xlane v3, v0;
	_ =	sdelay $0x1  }
0x52: {  	v4 =	vadd.s32 v1, v4;
	_ =	sdelay $0x1  }
0x53: {  	v3 =	vperm.xlane v3, v2;
	_ =	sdelay $0x1  }
0x54: {  	v3 =	vadd.s32 v1, v3  }
0x55: {  	[hbm4b:s4+s2] =	stream.indirect_vreg.scatter [tilespmem:s8], [sflag:$0x5], $0x80, v4, vm0, $0xb8;
	[tilespmem:$0xC200] =	vst v63  }
0x56: {  	s1 =	rddreg [dreg:$0xb]  }
0x57: {  	[hbm4b:s5+s2] =	stream.indirect_vreg.scatter [tilespmem:s1], [sflag:$0x5], $0x80, v4, vm0, $0xb8;
	[tilespmem:$0xC200] =	vst v63  }
0x58: {  	s22 =	rddreg [dreg:$0xc]  }
0x59: {  	[hbm4b:s4+s2] =	stream.indirect_vreg.scatter [tilespmem:s22], [sflag:$0x5], $0x80, v3, vm0, $0xb8;
	[tilespmem:$0xC200] =	vst v63  }
0x5a: {  	s1 =	rddreg [dreg:$0xd]  }
0x5b: {  	[hbm4b:s5+s2] =	stream.indirect_vreg.scatter [tilespmem:s1], [sflag:$0x5], $0x80, v3, vm0, $0xb8;
	[tilespmem:$0xC200] =	vst v63  }
0x5c: {  	v3 =	vld [tilespmem:$0x90];
	_ =	sdelay $0x4  }
0x5d: {  	v59 =	vshll.u32 v3, $0x2  }
0x5e: {  	v3 =	vand.u32 $0x7, v3;
	v4 =	vand.u32 $0xFFFFFFE0, v59  }
0x5f: {  	v3 =	vor.u32 v3, v4  }
0x60: {  	v4 =	vperm.xlane v3, v0;
	_ =	sdelay $0x1  }
0x61: {  	v4 =	vadd.s32 v1, v4;
	_ =	sdelay $0x1  }
0x62: {  	v3 =	vperm.xlane v3, v2;
	_ =	sdelay $0x1  }
0x63: {  	s1 =	rddreg [dreg:$0xe];
	v3 =	vadd.s32 v1, v3  }
0x64: {  	[hbm4b:s4+s2] =	stream.indirect_vreg.scatter [tilespmem:s1], [sflag:$0x5], $0x80, v4, vm0, $0xb8;
	[tilespmem:$0xC200] =	vst v63  }
0x65: {  	s22 =	rddreg [dreg:$0xf]  }
0x66: {  	[hbm4b:s5+s2] =	stream.indirect_vreg.scatter [tilespmem:s22], [sflag:$0x5], $0x80, v4, vm0, $0xb8;
	[tilespmem:$0xC200] =	vst v63  }
0x67: {  	s1 =	rddreg [dreg:$0x10]  }
0x68: {  	[hbm4b:s4+s2] =	stream.indirect_vreg.scatter [tilespmem:s1], [sflag:$0x5], $0x80, v3, vm0, $0xb8;
	[tilespmem:$0xC200] =	vst v63  }
0x69: {  	s22 =	rddreg [dreg:$0x11]  }
0x6a: {  	[hbm4b:s5+s2] =	stream.indirect_vreg.scatter [tilespmem:s22], [sflag:$0x5], $0x80, v3, vm0, $0xb8;
	[tilespmem:$0xC200] =	vst v63  }
0x6b: {  	_ =	swait.ge [sflag:s20], $0x4000  }
0x6c: {  	[sflag:s20] =	ssyncset.done $0x0  }
0x6d: {  	s22 =	rddreg [dreg:$0x7];
	[sflag:s20] =	ssyncadd.s32 $0xFFFFC000  }
0x6e: {  	[tilespmem:s7], [sflag:$0x1] =	stream.linear.gather [hbm4b:s22+s2], $0x4000, $0x38;
	[tilespmem:$0xC200] =	vst v63  }
0x6f: {  	_ =	swait.ge [sflag:s21], $0x4000  }
0x70: {  	[sflag:s21] =	ssyncset.done $0x0  }
0x71: {  	s22 =	simm.s32 $0x100;
	s1 =	rddreg [dreg:$0x8];
	[sflag:s21] =	ssyncadd.s32 $0xFFFFC000  }
0x72: {  	[tilespmem:s22], [sflag:$0x7] =	stream.linear.gather [hbm4b:s1+s2], $0x80, $0x38;
	[tilespmem:$0xC200] =	vst v63  }
0x73: {  	_ =	swait.ge [sflag:s10], $0x80  }
0x74: {  	[sflag:s10] =	ssyncset.done $0x0  }
0x75: {  	[sflag:s10] =	ssyncadd.s32 $0xFFFFFF80  }
0x76: {  	v3 =	vld [tilespmem:$0x100];
	_ =	sdelay $0x4  }
0x77: {  	v60 =	vshll.u32 v3, $0x2  }
0x78: {  	v3 =	vand.u32 $0x7, v3;
	v4 =	vand.u32 $0xFFFFFFE0, v60  }
0x79: {  	v3 =	vor.u32 v3, v4  }
0x7a: {  	v4 =	vperm.xlane v3, v0;
	_ =	sdelay $0x1  }
0x7b: {  	v4 =	vadd.s32 v1, v4;
	_ =	sdelay $0x1  }
0x7c: {  	v3 =	vperm.xlane v3, v2;
	_ =	sdelay $0x1  }
0x7d: {  	v3 =	vadd.s32 v1, v3  }
0x7e: {  	[hbm4b:s4+s2] =	stream.indirect_vreg.scatter [tilespmem:s18], [sflag:$0x6], $0x80, v4, vm0, $0xb8;
	[tilespmem:$0xC200] =	vst v63  }
0x7f: {  	_ = 	snop  }
0x80: {  	[hbm4b:s5+s2] =	stream.indirect_vreg.scatter [tilespmem:s23], [sflag:$0x6], $0x80, v4, vm0, $0xb8;
	[tilespmem:$0xC200] =	vst v63  }
0x81: {  	_ = 	snop  }
0x82: {  	[hbm4b:s4+s2] =	stream.indirect_vreg.scatter [tilespmem:s24], [sflag:$0x6], $0x80, v3, vm0, $0xb8;
	[tilespmem:$0xC200] =	vst v63  }
0x83: {  	_ = 	snop  }
0x84: {  	[hbm4b:s5+s2] =	stream.indirect_vreg.scatter [tilespmem:s25], [sflag:$0x6], $0x80, v3, vm0, $0xb8;
	[tilespmem:$0xC200] =	vst v63  }
0x85: {  	v3 =	vld [tilespmem:$0x110];
	_ =	sdelay $0x4  }
0x86: {  	v61 =	vshll.u32 v3, $0x2  }
0x87: {  	v3 =	vand.u32 $0x7, v3;
	v4 =	vand.u32 $0xFFFFFFE0, v61  }
0x88: {  	v3 =	vor.u32 v3, v4  }
0x89: {  	v4 =	vperm.xlane v3, v0;
	_ =	sdelay $0x1  }
0x8a: {  	v4 =	vadd.s32 v1, v4;
	_ =	sdelay $0x1  }
0x8b: {  	v3 =	vperm.xlane v3, v2;
	_ =	sdelay $0x1  }
0x8c: {  	v3 =	vadd.s32 v1, v3  }
0x8d: {  	[hbm4b:s4+s2] =	stream.indirect_vreg.scatter [tilespmem:s26], [sflag:$0x6], $0x80, v4, vm0, $0xb8;
	[tilespmem:$0xC200] =	vst v63  }
0x8e: {  	_ = 	snop  }
0x8f: {  	[hbm4b:s5+s2] =	stream.indirect_vreg.scatter [tilespmem:s28], [sflag:$0x6], $0x80, v4, vm0, $0xb8;
	[tilespmem:$0xC200] =	vst v63  }
0x90: {  	_ = 	snop  }
0x91: {  	[hbm4b:s4+s2] =	stream.indirect_vreg.scatter [tilespmem:s29], [sflag:$0x6], $0x80, v3, vm0, $0xb8;
	[tilespmem:$0xC200] =	vst v63  }
0x92: {  	_ = 	snop  }
0x93: {  	[hbm4b:s5+s2] =	stream.indirect_vreg.scatter [tilespmem:s30], [sflag:$0x6], $0x80, v3, vm0, $0xb8;
	[tilespmem:$0xC200] =	vst v63  }
0x94: {  	_ =	swait.ge [sflag:s9], $0x4000  }
0x95: {  	[sflag:s9] =	ssyncset.done $0x0  }
0x96: {  	s22 =	rddreg [dreg:$0x9];
	[sflag:s9] =	ssyncadd.s32 $0xFFFFC000  }
0x97: {  	[tilespmem:s2], [sflag:$0x7] =	stream.linear.gather [hbm4b:s22+s2], $0x80, $0x38;
	[tilespmem:$0xC200] =	vst v63  }
0x98: {  	_ =	swait.ge [sflag:s10], $0x80  }
0x99: {  	[sflag:s10] =	ssyncset.done $0x0  }
0x9a: {  	[sflag:s10] =	ssyncadd.s32 $0xFFFFFF80  }
0x9b: {  	v3 =	vld [tilespmem:$0x0];
	_ =	sdelay $0x4  }
0x9c: {  	v62 =	vshll.u32 v3, $0x2  }
0x9d: {  	v3 =	vand.u32 $0x7, v3;
	v4 =	vand.u32 $0xFFFFFFE0, v62  }
0x9e: {  	v3 =	vor.u32 v3, v4  }
0x9f: {  	v4 =	vperm.xlane v3, v0;
	_ =	sdelay $0x1  }
0xa0: {  	v4 =	vadd.s32 v1, v4;
	_ =	sdelay $0x1  }
0xa1: {  	v3 =	vperm.xlane v3, v2;
	_ =	sdelay $0x1  }
0xa2: {  	v3 =	vadd.s32 v1, v3  }
0xa3: {  	[hbm4b:s4+s2] =	stream.indirect_vreg.scatter [tilespmem:s7], [sflag:$0x4], $0x80, v4, vm0, $0xb8;
	[tilespmem:$0xC200] =	vst v63  }
0xa4: {  	_ = 	snop  }
0xa5: {  	[hbm4b:s5+s2] =	stream.indirect_vreg.scatter [tilespmem:s11], [sflag:$0x4], $0x80, v4, vm0, $0xb8;
	[tilespmem:$0xC200] =	vst v63  }
0xa6: {  	_ = 	snop  }
0xa7: {  	[hbm4b:s4+s2] =	stream.indirect_vreg.scatter [tilespmem:s12], [sflag:$0x4], $0x80, v3, vm0, $0xb8;
	[tilespmem:$0xC200] =	vst v63  }
0xa8: {  	_ = 	snop  }
0xa9: {  	[hbm4b:s5+s2] =	stream.indirect_vreg.scatter [tilespmem:s13], [sflag:$0x4], $0x80, v3, vm0, $0xb8;
	[tilespmem:$0xC200] =	vst v63  }
0xaa: {  	v3 =	vld [tilespmem:$0x10];
	_ =	sdelay $0x4  }
0xab: {  	v63 =	vshll.u32 v3, $0x2  }
0xac: {  	v3 =	vand.u32 $0x7, v3;
	v4 =	vand.u32 $0xFFFFFFE0, v63  }
0xad: {  	v3 =	vor.u32 v3, v4  }
0xae: {  	v4 =	vperm.xlane v3, v0;
	_ =	sdelay $0x1  }
0xaf: {  	v4 =	vadd.s32 v1, v4;
	_ =	sdelay $0x1  }
0xb0: {  	v3 =	vperm.xlane v3, v2;
	_ =	sdelay $0x1  }
0xb1: {  	v3 =	vadd.s32 v1, v3  }
0xb2: {  	[hbm4b:s4+s2] =	stream.indirect_vreg.scatter [tilespmem:s14], [sflag:$0x4], $0x80, v4, vm0, $0xb8;
	[tilespmem:$0xC200] =	vst v63  }
0xb3: {  	_ = 	snop  }
0xb4: {  	[hbm4b:s5+s2] =	stream.indirect_vreg.scatter [tilespmem:s15], [sflag:$0x4], $0x80, v4, vm0, $0xb8;
	[tilespmem:$0xC200] =	vst v63  }
0xb5: {  	_ = 	snop  }
0xb6: {  	[hbm4b:s4+s2] =	stream.indirect_vreg.scatter [tilespmem:s16], [sflag:$0x4], $0x80, v3, vm0, $0xb8;
	[tilespmem:$0xC200] =	vst v63  }
0xb7: {  	_ = 	snop  }
0xb8: {  	[hbm4b:s5+s2] =	stream.indirect_vreg.scatter [tilespmem:s17], [sflag:$0x4], $0x80, v3, vm0, $0xb8;
	[tilespmem:$0xC200] =	vst v63  }
0xb9: {  	_ =	swait.ge [sflag:s31], $0x4000  }
0xba: {  	[sflag:s31] =	ssyncset.done $0x0  }
0xbb: {  	[sflag:s31] =	ssyncadd.s32 $0xFFFFC000  }
0xbc: {  	p0 =	sne.s32 s6, $0x1;
	_ =	swait.ge [sflag:s0], $0x4000  }
.Ltmp0:
0xbd: {  	[sflag:s0] =	ssyncset.done $0x0;
	(pc) =	sbr.rel @p0 .LBB2_1-.Ltmp0, $4  }
0xbe: {  	[sflag:s0] =	ssyncadd.s32 $0xFFFFC000  }
0xbf: {  	_ =	swait.ge [sflag:s20], $0x4000  }
0xc0: {  	[sflag:s20] =	ssyncset.done $0x0  }
0xc1: {  	s6 =	sadd.s32 $0xFFFFFFFF, s6;
	[sflag:s20] =	ssyncadd.s32 $0xFFFFC000  }
0xc2: {  	_ =	sfence.sel $0x180000  }
0xc3: {  	[bflag:$0x0] =	sbarrier.arrive $0xFFFF  }
0xc4: {  	_ =	strace $0x90000047  }
0xc5: {  	s0 =	stileid.u32;
	[bflag:$0x2] =	sbarrier.arrive $0xFFFF  }
0xc6: {  	p0 =	sne.s32 s0, $0x0;
	s0 =	rddreg [dreg:$0x2]  }
0xc7: {  	s0 =	sadd.s32 @!p0 $0x100000, s0  }
0xc8: {  	[sflag:s0] =	ssyncadd.tile.s32 @!p0 $0x1;
	_ =	shalt  }
.Lfunc_end2:
_tile_overlayer_lowered:
.L_overlay_start_2:
0xc9: {  	(tag) =	ssettag $0x2  }
0xca: {  	s0 =	rddreg [dreg:$0x0];
	s2 =	stileid.u32  }
0xcb: {  	s1 =	rddreg [dreg:$0x1];
	p0 =	sne.s32 s2, $0x0  }
0xcc: {  	s3 =	rddreg [dreg:$0x2];
	[bflag:$0x3] =	sbarrier.arrive $0xFFFF;
	s2 =	simm.s32 @!p0 $0x1C07  }
0xcd: {  	[timem:s3], [sflag:s2] =	dma.local @!p0 [hbm:s0], s1  }
0xce: {  	s0 =	simm.s32 @!p0 $0x7  }
0xcf: {  	_ =	swait.ge @!p0 [sflag:s0], s1  }
0xd0: {  	s1 =	ssub.s32 @!p0 $0x0, s1;
	[sflag:s0] =	ssyncset.done @!p0 $0x0  }
0xd1: {  	[sflag:s0] =	ssyncadd.s32 @!p0 s1  }
0xd2: {  	[bflag:$0x3] =	sbarrier.arrive $0xFFFF  }
0xd3: {  	_ =	shalt  }

</sc_bundles>
